<compile_context>
chip_gen: v7x
topology: tpu7x:2x2x1
jax: 0.10.2.dev20260603
libtpu: 0.0.44.dev20260713+nightly
codegen_flags: <defaults>
</compile_context>

<pallas_src>
import jax
import jax.numpy as jnp
from jax import lax
from jax.experimental import pallas as pl
from jax.experimental.pallas import tpu as pltpu
from jax.experimental.pallas import tpu_sc as plsc

N = 10000
NFEAT = 128
NHID = 8
NOUT = 16
NHEADS = 8
ALPHA = 0.2

R = 20
NWROW = N // R
NPAD = 10400
BI = 400
NI = N // BI

NWORKERS = 32
WPW = 16
ROWS_W = WPW * R
EMAX = 16384
G = 128



def _take16(x, idx):
    dn = lax.GatherDimensionNumbers(
        offset_dims=(), collapsed_slice_dims=(0,), start_index_map=(0,))
    return lax.gather(x, idx[:, None], dn, (1,),
                      mode=lax.GatherScatterMode.PROMISE_IN_BOUNDS)

def _kp_body(adj_ref, out_ref):
    a3 = adj_ref[...].astype(jnp.int32).reshape(2, R, N)
    r = lax.broadcasted_iota(jnp.int32, (2, R, N), 1)
    out_ref[...] = jnp.sum(a3 << r, axis=1).reshape(1, 2, N)


def _k1_body(x_ref, wc_ref, a1_ref, a2_ref, utab_ref, rec1_ref):
    h = jnp.dot(x_ref[...], wc_ref[...], preferred_element_type=jnp.float32)
    s1 = jnp.dot(h, a1_ref[...], preferred_element_type=jnp.float32)
    s2 = jnp.dot(h, a2_ref[...], preferred_element_type=jnp.float32)
    utab_ref[...] = jnp.concatenate([jnp.exp(-s1), jnp.exp(-ALPHA * s1)], 1)
    zp = jnp.zeros((h.shape[0], 48), jnp.float32)
    rec1_ref[...] = jnp.concatenate(
        [jnp.exp(-s2), jnp.exp(-ALPHA * s2), h, zp], 1)


def _sk1_body(mask_hbm,
              src_hbm, dst_hbm, cnt_hbm,
              maskb, srcl, dstl, cntb):
    wid = lax.axis_index("s") * 2 + lax.axis_index("c")
    wstart = wid * WPW
    wcnt = jnp.minimum(WPW, NWROW - wstart)

    iota = lax.iota(jnp.int32, 16)
    z16i = jnp.zeros((16,), jnp.int32)

    def _zero_d(i, carry):
        dstl[pl.ds(i * 16, 16)] = z16i
        return carry

    lax.fori_loop(0, EMAX // 16, _zero_d, 0)

    def _row_loop(rl, cur):
        w = wstart + rl
        pltpu.sync_copy(mask_hbm.at[pl.ds(w * N, N)], maskb)
        srcbase = w * R

        def _chunk_loop(ch, cur):
            words = maskb[pl.ds(ch * 16, 16)]
            nzm0 = (words != 0).astype(jnp.int32)

            def _cond(st):
                return jnp.any(st[1] != 0)

            def _word(st):
                cur2, nzm = st
                lanev = plsc.all_reduce_ffs(nzm != 0)
                if getattr(lanev, "ndim", 0) == 0:
                    lanev = jnp.full((16,), lanev, jnp.int32)
                wb = _take16(words, lanev)
                dstv = ch * 16 + lanev
                m1 = ((wb >> iota) & 1) == 1
                c1 = jnp.cumsum(m1.astype(jnp.int32))
                pos1 = cur2 + c1 - 1
                ok1 = m1 & (pos1 < EMAX)
                plsc.store_scatter(srcl, [pos1], srcbase + iota, mask=ok1)
                plsc.store_scatter(dstl, [pos1], dstv, mask=ok1)
                n1 = jnp.sum(ok1.astype(jnp.int32))
                m2 = ((((wb >> (iota + 16)) & 1) == 1) & (iota < 4))
                c2 = jnp.cumsum(m2.astype(jnp.int32))
                pos2 = cur2 + n1 + c2 - 1
                ok2 = m2 & (pos2 < EMAX)
                plsc.store_scatter(srcl, [pos2], srcbase + 16 + iota, mask=ok2)
                plsc.store_scatter(dstl, [pos2], dstv, mask=ok2)
                n2 = jnp.sum(ok2.astype(jnp.int32))
                nzm2 = jnp.where(iota == lanev, 0, nzm)
                return (cur2 + n1 + n2, nzm2)

            cur, _ = lax.while_loop(_cond, _word, (cur, nzm0))
            return cur

        return lax.fori_loop(0, N // 16, _chunk_loop, cur)

    cnt = lax.fori_loop(0, wcnt, _row_loop, 0)

    pltpu.sync_copy(srcl, src_hbm.at[pl.ds(wid * EMAX, EMAX)])
    pltpu.sync_copy(dstl, dst_hbm.at[pl.ds(wid * EMAX, EMAX)])
    cntb[pl.ds(0, 16)] = jnp.full((16,), cnt, jnp.int32)
    pltpu.sync_copy(cntb, cnt_hbm.at[pl.ds(wid * 16, 16)])


BIA = 80
NIA = N // BIA


def _att_body(adj_ref, u_ref, ua_ref, vt_ref, vat_ref, haug_ref, out_ref):
    adjf = adj_ref[...].astype(jnp.float32)
    outs = []
    for k in range(NHEADS):
        p1 = u_ref[:, k:k + 1] * vt_ref[k:k + 1, :]
        p2 = ua_ref[:, k:k + 1] * vat_ref[k:k + 1, :]
        e = jnp.minimum(p1, p2) * adjf
        outs.append(jnp.dot(e, haug_ref[:, k * 9:(k + 1) * 9],
                            preferred_element_type=jnp.float32))
    out_ref[...] = jnp.concatenate(outs, axis=1)


def _k3_body(acc_ref, wml_ref, b1_ref, b2_ref, utab2_ref, rec2_ref):
    acc = acc_ref[...]
    hs = []
    for k in range(NHEADS):
        num = acc[:, k * 9:k * 9 + NHID]
        den = acc[:, k * 9 + NHID:k * 9 + NHID + 1]
        hp = num / den
        hs.append(jnp.where(hp > 0, hp, jnp.exp(hp) - 1.0))
    h1 = jnp.concatenate(hs, axis=1)
    g = jnp.dot(h1, wml_ref[...], preferred_element_type=jnp.float32)
    s1 = jnp.dot(g, b1_ref[...], preferred_element_type=jnp.float32)
    s2 = jnp.dot(g, b2_ref[...], preferred_element_type=jnp.float32)
    zpad = jnp.zeros((acc.shape[0], 12), jnp.float32)
    utab2_ref[...] = jnp.concatenate(
        [jnp.exp(-s1), jnp.exp(-ALPHA * s1), zpad], 1)
    zp48 = jnp.zeros((acc.shape[0], 80), jnp.float32)
    rec2_ref[...] = jnp.concatenate(
        [jnp.exp(-s2), jnp.exp(-ALPHA * s2), zpad, g, zp48], 1)


def _sk2_body(utab_hbm, rec2_hbm, src_hbm, dst_hbm, cnt_hbm,
              acc_hbm, srcl, dstl, utabl, accl, gbuf, cntb, sem):
    wid = lax.axis_index("s") * 2 + lax.axis_index("c")
    wstart = wid * WPW
    rowbase = wstart * R

    iota = lax.iota(jnp.int32, 16)
    z16f = jnp.zeros((16,), jnp.float32)

    def _zero_a(i, carry):
        accl[pl.ds(i * 16, 16)] = z16f
        return carry

    lax.fori_loop(0, ROWS_W * 48 // 16, _zero_a, 0)

    pltpu.sync_copy(utab_hbm.at[pl.ds(rowbase * 16, ROWS_W * 16)], utabl)
    pltpu.sync_copy(src_hbm.at[pl.ds(wid * EMAX, EMAX)], srcl)
    pltpu.sync_copy(dst_hbm.at[pl.ds(wid * EMAX, EMAX)], dstl)
    pltpu.sync_copy(cnt_hbm, cntb)
    cnt = cntb[pl.ds(wid * 16, 16)][0]

    nb = (cnt + G - 1) // G

    def _batch(b, carry):
        idx = dstl.at[pl.ds(b * G, G)]
        pltpu.async_copy(rec2_hbm.at[idx], gbuf, sem).wait()
        rem = jnp.minimum(G, cnt - b * G)

        def _group(g, carry2):
            srcv = srcl[pl.ds(b * G + g * 16, 16)]
            gcnt = jnp.clip(rem - g * 16, 0, 16)

            def _edge(e16, carry3):
                sl = jnp.sum(jnp.where(iota == e16, srcv, 0)) - rowbase
                e = g * 16 + e16
                uvec = utabl[pl.ds(sl * 16, 16)]
                rv = gbuf[e, pl.ds(0, 16)]
                prod = uvec * rv
                psh = _take16(prod, (iota + 2) & 15)
                ev = jnp.minimum(prod, psh)
                rs = jnp.where(iota < 2, ev, 0.0)
                plsc.addupdate(accl.at[pl.ds(sl * 48, 16)], rs)
                emu = _take16(ev, jnp.zeros((16,), jnp.int32))
                elv = _take16(ev, jnp.ones((16,), jnp.int32))
                gmu = gbuf[e, pl.ds(16, 16)]
                glv = gbuf[e, pl.ds(32, 16)]
                plsc.addupdate(accl.at[pl.ds(sl * 48 + 16, 16)], emu * gmu)
                plsc.addupdate(accl.at[pl.ds(sl * 48 + 32, 16)], elv * glv)
                return carry3

            lax.fori_loop(0, gcnt, _edge, 0)
            return carry2

        lax.fori_loop(0, G // 16, _group, 0)
        return carry

    lax.fori_loop(0, nb, _batch, 0)

    pltpu.sync_copy(accl, acc_hbm.at[pl.ds(rowbase * 48, ROWS_W * 48)])


def _k5_body(acc_ref, mu_ref, lv_ref):
    acc = acc_ref[...]
    mu_ref[...] = acc[:, 16:32] / acc[:, 0:1]
    lv_ref[...] = acc[:, 32:48] / acc[:, 1:2]


def kernel(x, adj, W, a, W_mu, a_mu, W_lv, a_lv):
    f32 = jnp.float32

    wc = jnp.transpose(W, (1, 0, 2)).reshape(NFEAT, NHEADS * NHID)
    eye = jnp.eye(NHEADS, dtype=f32)
    a1 = (a[:, 0, :NHID][:, :, None] * eye[:, None, :]).reshape(
        NHEADS * NHID, NHEADS)
    a2 = (a[:, 0, NHID:][:, :, None] * eye[:, None, :]).reshape(
        NHEADS * NHID, NHEADS)

    colmask = pl.pallas_call(
        _kp_body,
        grid=(NWROW // 2,),
        in_specs=[pl.BlockSpec((2 * R, N), lambda i: (i, 0))],
        out_specs=pl.BlockSpec((1, 2, N), lambda i: (i, 0, 0)),
        out_shape=jax.ShapeDtypeStruct((NWROW // 2, 2, N), jnp.int32),
    )(adj)
    mask_flat = colmask.reshape(NWROW * N)

    utab, rec1 = pl.pallas_call(
        _k1_body,
        grid=(NI,),
        in_specs=[
            pl.BlockSpec((BI, NFEAT), lambda i: (i, 0)),
            pl.BlockSpec((NFEAT, NHEADS * NHID), lambda i: (0, 0)),
            pl.BlockSpec((NHEADS * NHID, NHEADS), lambda i: (0, 0)),
            pl.BlockSpec((NHEADS * NHID, NHEADS), lambda i: (0, 0)),
        ],
        out_specs=[
            pl.BlockSpec((BI, 16), lambda i: (i, 0)),
            pl.BlockSpec((BI, 128), lambda i: (i, 0)),
        ],
        out_shape=[
            jax.ShapeDtypeStruct((NPAD, 16), f32),
            jax.ShapeDtypeStruct((N, 128), f32),
        ],
    )(x, wc, a1, a2)

    utab_pad = utab.reshape(NPAD * 16)

    mesh = plsc.VectorSubcoreMesh(core_axis_name="c", subcore_axis_name="s")
    sk1 = pl.kernel(
        _sk1_body, mesh=mesh,
        out_type=[
            jax.ShapeDtypeStruct((NWORKERS * EMAX,), jnp.int32),
            jax.ShapeDtypeStruct((NWORKERS * EMAX,), jnp.int32),
            jax.ShapeDtypeStruct((NWORKERS * 16,), jnp.int32),
        ],
        scratch_types=[
            pltpu.VMEM((N,), jnp.int32),
            pltpu.VMEM((EMAX,), jnp.int32),
            pltpu.VMEM((EMAX,), jnp.int32),
            pltpu.VMEM((16,), jnp.int32),
        ],
        compiler_params=pltpu.CompilerParams(needs_layout_passes=False),
    )
    srcL, dstL, cnts = sk1(mask_flat)

    u = utab[:N, 0:8]
    ua = utab[:N, 8:16]
    vt = rec1[:, 0:8].T
    vat = rec1[:, 8:16].T
    ones1 = jnp.ones((N, 1), f32)
    haug = jnp.concatenate(
        [jnp.concatenate([rec1[:, 16 + k * 8:16 + (k + 1) * 8], ones1], 1)
         for k in range(NHEADS)], 1)
    acc1 = pl.pallas_call(
        _att_body,
        grid=(NIA,),
        in_specs=[
            pl.BlockSpec((BIA, N), lambda i: (i, 0)),
            pl.BlockSpec((BIA, NHEADS), lambda i: (i, 0)),
            pl.BlockSpec((BIA, NHEADS), lambda i: (i, 0)),
            pl.BlockSpec((NHEADS, N), lambda i: (0, 0)),
            pl.BlockSpec((NHEADS, N), lambda i: (0, 0)),
            pl.BlockSpec((N, NHEADS * 9), lambda i: (0, 0)),
        ],
        out_specs=pl.BlockSpec((BIA, NHEADS * 9), lambda i: (i, 0)),
        out_shape=jax.ShapeDtypeStruct((N, NHEADS * 9), f32),
    )(adj, u, ua, vt, vat, haug)

    wml = jnp.concatenate([W_mu, W_lv], axis=1)
    z2 = jnp.zeros((NOUT, 1), f32)
    b1 = jnp.concatenate([
        jnp.concatenate([a_mu[0, :NOUT, None], z2], axis=1),
        jnp.concatenate([z2, a_lv[0, :NOUT, None]], axis=1)], axis=0)
    b2 = jnp.concatenate([
        jnp.concatenate([a_mu[0, NOUT:, None], z2], axis=1),
        jnp.concatenate([z2, a_lv[0, NOUT:, None]], axis=1)], axis=0)

    utab2, rec2 = pl.pallas_call(
        _k3_body,
        grid=(NI,),
        in_specs=[
            pl.BlockSpec((BI, NHEADS * 9), lambda i: (i, 0)),
            pl.BlockSpec((NHEADS * NHID, 2 * NOUT), lambda i: (0, 0)),
            pl.BlockSpec((2 * NOUT, 2), lambda i: (0, 0)),
            pl.BlockSpec((2 * NOUT, 2), lambda i: (0, 0)),
        ],
        out_specs=[
            pl.BlockSpec((BI, 16), lambda i: (i, 0)),
            pl.BlockSpec((BI, 128), lambda i: (i, 0)),
        ],
        out_shape=[
            jax.ShapeDtypeStruct((NPAD, 16), f32),
            jax.ShapeDtypeStruct((N, 128), f32),
        ],
    )(acc1, wml, b1, b2)

    utab2_pad = utab2.reshape(NPAD * 16)

    sk2 = pl.kernel(
        _sk2_body, mesh=mesh,
        out_type=[jax.ShapeDtypeStruct((NPAD * 48,), f32)],
        scratch_types=[
            pltpu.VMEM((EMAX,), jnp.int32),
            pltpu.VMEM((EMAX,), jnp.int32),
            pltpu.VMEM((ROWS_W * 16,), f32),
            pltpu.VMEM((ROWS_W * 48,), f32),
            pltpu.VMEM((G, 128), f32),
            pltpu.VMEM((NWORKERS * 16,), jnp.int32),
            pltpu.SemaphoreType.DMA,
        ],
        compiler_params=pltpu.CompilerParams(needs_layout_passes=False),
    )
    acc2, = sk2(utab2_pad, rec2, srcL, dstL, cnts)

    mu, lv = pl.pallas_call(
        _k5_body,
        grid=(NI,),
        in_specs=[pl.BlockSpec((BI, 48), lambda i: (i, 0))],
        out_specs=[
            pl.BlockSpec((BI, NOUT), lambda i: (i, 0)),
            pl.BlockSpec((BI, NOUT), lambda i: (i, 0)),
        ],
        out_shape=[
            jax.ShapeDtypeStruct((N, NOUT), f32),
            jax.ShapeDtypeStruct((N, NOUT), f32),
        ],
    )(acc2.reshape(NPAD, 48))

    return (mu, mu, lv)

# --- scband reference (transcript-rebuilt; emitter-appended) ---
"""Pipeline reference for scband-sp-gatvae-28200755265681 (READ-ONLY COPY).

The authoritative reference and input builder live on the scoring server;
editing this copy changes nothing except your own understanding.
"""

import jax, jax.numpy as jnp
import numpy as np

N = 10000
E = 320000
NFEAT = 128
NHID = 8
NOUT = 16
NHEADS = 8
ALPHA = 0.2


def _glorot(key, shape):
    fan = shape[-2] + shape[-1]
    limit = float(np.sqrt(6.0 / fan))
    return jax.random.uniform(key, shape, jnp.float32, -limit, limit)


def setup_inputs(seed: int = 0):
    key = jax.random.key(seed)
    ks = jax.random.split(key, 7)
    x = jax.random.normal(ks[0], (N, NFEAT), dtype=jnp.float32)
    rng = np.random.default_rng(0)
    src_np = rng.integers(0, N, size=E)
    dst_np = rng.integers(0, N, size=E)
    adj_np = np.zeros((N, N), dtype=bool)
    adj_np[src_np, dst_np] = True
    d = np.arange(N)
    adj_np[d, d] = True  # self-loops so every node has at least one out-edge
    adj = jnp.asarray(adj_np)
    W = _glorot(ks[1], (NHEADS, NFEAT, NHID))
    a = _glorot(ks[2], (NHEADS, 1, 2 * NHID))
    W_mu = _glorot(ks[3], (NHID * NHEADS, NOUT))
    a_mu = _glorot(ks[4], (1, 2 * NOUT))
    W_lv = _glorot(ks[5], (NHID * NHEADS, NOUT))
    a_lv = _glorot(ks[6], (1, 2 * NOUT))
    return {"x": x, "adj": adj, "W": W, "a": a,
            "W_mu": W_mu, "a_mu": a_mu, "W_lv": W_lv, "a_lv": a_lv}


def _sp_gat_layer(x, src, dst, valid, W, a, n, concat):
    # h = x @ W
    h = x @ W
    # edge_h = cat(h[src], h[dst]) ; attention logits a @ edge_h^T
    edge_h = jnp.concatenate([h[src], h[dst]], axis=1)  # [E, 2*out]
    logits = edge_h @ a[0]  # a: [1, 2*out] -> a[0]: [2*out] ; logits: [E]
    lrelu = jnp.where(logits > 0, logits, ALPHA * logits)  # LeakyReLU(alpha)
    edge_e = jnp.exp(-lrelu)
    edge_e = jnp.where(valid, edge_e, 0.0)
    # special_spmm(edge, edge_e, [N,N], ones(N,1)) -> row sums keyed by src
    e_rowsum = jax.ops.segment_sum(edge_e, src, num_segments=n)  # [N]
    # special_spmm(edge, edge_e, [N,N], h) -> weighted scatter-add of h[dst]
    h_prime = jax.ops.segment_sum(edge_e[:, None] * h[dst], src, num_segments=n)
    h_prime = h_prime / e_rowsum[:, None]
    if concat:
        return jax.nn.elu(h_prime)
    return h_prime


def reference(x, adj, W, a, W_mu, a_mu, W_lv, a_lv):
    # eval mode: dropout = identity, reparameterize returns mu
    max_edges = E + N
    src, dst = jnp.nonzero(adj, size=max_edges, fill_value=0)
    valid = jnp.arange(max_edges) < jnp.count_nonzero(adj)
    n = x.shape[0]
    heads = [_sp_gat_layer(x, src, dst, valid, W[i], a[i], n, True) for i in range(NHEADS)]
    h = jnp.concatenate(heads, axis=1)  # [N, nhid*nheads]
    mu = _sp_gat_layer(h, src, dst, valid, W_mu, a_mu, n, False)
    logvar = _sp_gat_layer(h, src, dst, valid, W_lv, a_lv, n, False)
    z = mu
    return (z, mu, logvar)

if __name__ == "__main__":
    import jax
    _d = setup_inputs()
    print(jax.jit(kernel)(*tuple(_d.values())))

</pallas_src>

<mosaic_0001>
#map = affine_map<(d0, d1) -> (0)>
module attributes {stable_mosaic.version = 14 : i64} {
  func.func @_sk1_body(%arg0: i32, %arg1: i32, %arg2: memref<5000000xi32, #tpu.memory_space<hbm>>, %arg3: memref<524288xi32, #tpu.memory_space<hbm>>, %arg4: memref<524288xi32, #tpu.memory_space<hbm>>, %arg5: memref<512xi32, #tpu.memory_space<hbm>>, %arg6: memref<10000xi32, #tpu.memory_space<vmem>>, %arg7: memref<16384xi32, #tpu.memory_space<vmem>>, %arg8: memref<16384xi32, #tpu.memory_space<vmem>>, %arg9: memref<16xi32, #tpu.memory_space<vmem>>) attributes {dimension_semantics = [#tpu.dimension_semantics<core_parallel>, #tpu.dimension_semantics<subcore_parallel>], iteration_bounds = array<i64: 2, 16>, scalar_prefetch = 0 : i64, scratch_operands = 4 : i64, tpu.core_type = #tpu.core_type<sc_vector_subcore>, window_params = [{transform_indices = #map}, {transform_indices = #map}, {transform_indices = #map}, {transform_indices = #map}]} {
    %mul3A = arith.constant 2 : i32
    %mul3A_0 = arith.muli %arg1, %mul3A : i32
    %add3A = arith.addi %mul3A_0, %arg0 : i32
    %mul3A_1 = arith.constant 16 : i32
    %mul3A_2 = arith.muli %add3A, %mul3A_1 : i32
    %sub3A = arith.constant 500 : i32
    %sub3A_3 = arith.subi %sub3A, %mul3A_2 : i32
    %min3A = arith.constant 16 : i32
    %min3A_4 = arith.minsi %min3A, %sub3A_3 : i32
    %iota3A = tpu.iota {dimensions = array<i32: 0>} : vector<16xi32>
    %broadcast_in_dim3A = arith.constant 0 : i32
    %broadcast_in_dim3A_5 = vector.broadcast %broadcast_in_dim3A : i32 to vector<16xi32>
    %scan3A = arith.constant 0 : i32
    %scan3A_6 = arith.constant 0 : i32
    %scan3A_7 = arith.constant 1024 : i32
    %scan3A_8 = arith.addi %scan3A_6, %scan3A_7 : i32
    %scan3A_9 = arith.constant 1 : i32
    scf.for %scan3A_30 = %scan3A_6 to %scan3A_8 step %scan3A_9  : i32 {
      %mul3A_31 = arith.constant 16 : i32
      %mul3A_32 = arith.muli %scan3A_30, %mul3A_31 : i32
      %swap3A_33 = arith.index_cast %mul3A_32 : i32 to index
      %swap3A_34 = tpu.vector_load %arg8[%swap3A_33] {strides = array<i32>} : memref<16384xi32, #tpu.memory_space<vmem>>, vector<16xi32>,
      tpu.vector_store %arg8[%swap3A_33], %broadcast_in_dim3A_5 {strides = array<i32>} : memref<16384xi32, #tpu.memory_space<vmem>>, vector<16xi32>,
    }
    %scan3A_10 = arith.constant 1024 : i32
    %while3A = arith.constant 0 : i32
    %while3A_11 = arith.constant 0 : i32
    %while3A_12 = arith.subi %min3A_4, %while3A : i32
    %while3A_13 = arith.addi %while3A, %while3A_12 : i32
    %while3A_14 = arith.constant 1 : i32
    %while3A_15 = arith.divsi %while3A_12, %while3A_14 : i32
    %while3A_16 = arith.muli %while3A_15, %while3A_14 : i32
    %while3A_17 = arith.addi %while3A, %while3A_16 : i32
    %while3A_18 = arith.constant 1 : i32
    %while3A_19 = scf.for %while3A_30 = %while3A to %while3A_17 step %while3A_18 iter_args(%while3A_31 = %while3A_11) -> (i32)  : i32 {
      %add3A_32 = arith.addi %mul3A_2, %while3A_30 : i32
      %mul3A_33 = arith.constant 10000 : i32
      %mul3A_34 = arith.muli %add3A_32, %mul3A_33 : i32
      "tpu.region"() ({
        %run_scoped3A = tpu.sem_alloc : memref<!tpu.dma_semaphore, #tpu.memory_space<semaphore_mem>>
        %dma_start3A = tpu.memref_slice %arg2[%mul3A_34] : memref<5000000xi32, #tpu.memory_space<hbm>> -> memref<10000xi32, #tpu.memory_space<hbm>>
        %dma_start3A_43 = tpu.memref_slice %arg2[%mul3A_34] : memref<5000000xi32, #tpu.memory_space<hbm>> -> memref<10000xi32, #tpu.memory_space<hbm>>
        tpu.enqueue_dma source(%dma_start3A_43 : memref<10000xi32, #tpu.memory_space<hbm>>) target(%arg6 : memref<10000xi32, #tpu.memory_space<vmem>>) target_semaphore(%run_scoped3A : memref<!tpu.dma_semaphore, #tpu.memory_space<semaphore_mem>>)
        %dma_wait3A = tpu.memref_slice %arg2[%mul3A_34] : memref<5000000xi32, #tpu.memory_space<hbm>> -> memref<10000xi32, #tpu.memory_space<hbm>>
        %dma_wait3A_44 = tpu.memref_slice %arg2[%mul3A_34] : memref<5000000xi32, #tpu.memory_space<hbm>> -> memref<10000xi32, #tpu.memory_space<hbm>>
        tpu.wait_dma2 semaphore(%run_scoped3A : memref<!tpu.dma_semaphore, #tpu.memory_space<semaphore_mem>>) src(%dma_wait3A_44 : memref<10000xi32, #tpu.memory_space<hbm>>) dst(%arg6 : memref<10000xi32, #tpu.memory_space<vmem>>)
        tpu.yield
      }) : () -> ()
      %mul3A_35 = arith.constant 20 : i32
      %mul3A_36 = arith.muli %add3A_32, %mul3A_35 : i32
      %scan3A_37 = arith.constant 0 : i32
      %scan3A_38 = arith.constant 625 : i32
      %scan3A_39 = arith.addi %scan3A_37, %scan3A_38 : i32
      %scan3A_40 = arith.constant 1 : i32
      %scan3A_41 = scf.for %scan3A_43 = %scan3A_37 to %scan3A_39 step %scan3A_40 iter_args(%scan3A_44 = %while3A_31) -> (i32)  : i32 {
        %mul3A_45 = arith.constant 16 : i32
        %mul3A_46 = arith.muli %scan3A_43, %mul3A_45 : i32
        %get3A = arith.index_cast %mul3A_46 : i32 to index
        %get3A_47 = tpu.vector_load %arg6[%get3A] {strides = array<i32>} : memref<10000xi32, #tpu.memory_space<vmem>>, vector<16xi32>,
        %ne3A = arith.constant 0 : i32
        %ne3A_48 = vector.broadcast %ne3A : i32 to vector<16xi32>
        %ne3A_49 = arith.cmpi ne, %get3A_47, %ne3A_48 : vector<16xi32>
        %convert_element_type3A = arith.extui %ne3A_49 : vector<16xi1> to vector<16xi32>
        %while3A_50:2 = scf.while (%while3A_51 = %scan3A_44, %while3A_52 = %convert_element_type3A) : (i32, vector<16xi32>) -> (i32, vector<16xi32>) {
          %ne3A_53 = arith.constant 0 : i32
          %ne3A_54 = vector.broadcast %ne3A_53 : i32 to vector<16xi32>
          %ne3A_55 = arith.cmpi ne, %while3A_52, %ne3A_54 : vector<16xi32>
          %reduce_or3A = arith.constant 1.000000e+00 : f32
          %reduce_or3A_56 = arith.constant 0.000000e+00 : f32
          %reduce_or3A_57 = vector.broadcast %reduce_or3A : f32 to vector<16xf32>
          %reduce_or3A_58 = vector.broadcast %reduce_or3A_56 : f32 to vector<16xf32>
          %reduce_or3A_59 = arith.select %ne3A_55, %reduce_or3A_57, %reduce_or3A_58 : vector<16xi1>, vector<16xf32>
          %reduce_or3A_60 = arith.constant true
          %reduce_or3A_61 = vector.broadcast %reduce_or3A_60 : i1 to vector<16xi1>
          %reduce_or3A_62 = tpu.scan <max>, %reduce_or3A_59 masked %reduce_or3A_61 : vector<16xf32>, vector<16xi1> -> vector<16xf32>
          %reduce_or3A_63 = vector.extract %reduce_or3A_62[15] : f32 from vector<16xf32>
          %reduce_or3A_64 = arith.constant 0.000000e+00 : f32
          %reduce_or3A_65 = arith.cmpf ogt, %reduce_or3A_63, %reduce_or3A_64 : f32
          scf.condition(%reduce_or3A_65) %while3A_51, %while3A_52 : i32, vector<16xi32>
        } do {
        ^bb0(%while3A_51: i32, %while3A_52: vector<16xi32>):
          %ne3A_53 = arith.constant 0 : i32
          %ne3A_54 = vector.broadcast %ne3A_53 : i32 to vector<16xi32>
          %ne3A_55 = arith.cmpi ne, %while3A_52, %ne3A_54 : vector<16xi32>
          %all_reduce_ffs3A = tpu.all_reduce %ne3A_55 {dim = 0 : i64, kind = #tpu.reduction_kind<find_first_set>} : vector<16xi1> -> vector<16xi32>
          %broadcast_in_dim3A_56 = vector.shape_cast %all_reduce_ffs3A : vector<16xi32> to vector<16x1xi32>
          %gather3A = vector.shape_cast %broadcast_in_dim3A_56 : vector<16x1xi32> to vector<16xi32>
          %gather3A_57 = tpu.dynamic_gather %get3A_47[%gather3A] in [0] : vector<16xi32>, vector<16xi32> -> vector<16xi32>
          %mul3A_58 = arith.constant 16 : i32
          %mul3A_59 = arith.muli %scan3A_43, %mul3A_58 : i32
          %add3A_60 = vector.broadcast %mul3A_59 : i32 to vector<16xi32>
          %add3A_61 = arith.addi %add3A_60, %all_reduce_ffs3A : vector<16xi32>
          %shift_right_arithmetic3A = arith.shrsi %gather3A_57, %iota3A : vector<16xi32>
          %and3A = arith.constant 1 : i32
          %and3A_62 = vector.broadcast %and3A : i32 to vector<16xi32>
          %and3A_63 = arith.andi %shift_right_arithmetic3A, %and3A_62 : vector<16xi32>
          %eq3A = arith.constant 1 : i32
          %eq3A_64 = vector.broadcast %eq3A : i32 to vector<16xi32>
          %eq3A_65 = arith.cmpi eq, %and3A_63, %eq3A_64 : vector<16xi32>
          %convert_element_type3A_66 = arith.extui %eq3A_65 : vector<16xi1> to vector<16xi32>
          %cumsum3A = arith.constant true
          %cumsum3A_67 = vector.broadcast %cumsum3A : i1 to vector<16xi1>
          %cumsum3A_68 = tpu.scan <sum>, %convert_element_type3A_66 masked %cumsum3A_67 : vector<16xi32>, vector<16xi1> -> vector<16xi32>
          %add3A_69 = vector.broadcast %while3A_51 : i32 to vector<16xi32>
          %add3A_70 = arith.addi %add3A_69, %cumsum3A_68 : vector<16xi32>
          %sub3A_71 = arith.constant 1 : i32
          %sub3A_72 = vector.broadcast %sub3A_71 : i32 to vector<16xi32>
          %sub3A_73 = arith.subi %add3A_70, %sub3A_72 : vector<16xi32>
          %lt3A = arith.constant 16384 : i32
          %lt3A_74 = vector.broadcast %lt3A : i32 to vector<16xi32>
          %lt3A_75 = arith.cmpi slt, %sub3A_73, %lt3A_74 : vector<16xi32>
          %and3A_76 = arith.andi %eq3A_65, %lt3A_75 : vector<16xi1>
          %add3A_77 = vector.broadcast %mul3A_36 : i32 to vector<16xi32>
          %add3A_78 = arith.addi %add3A_77, %iota3A : vector<16xi32>
          tpu.vector_store_idx %arg7[%sub3A_73], %add3A_78 masked %and3A_76 : memref<16384xi32, #tpu.memory_space<vmem>>[vector<16xi32>], vector<16xi32>, vector<16xi1>
          tpu.vector_store_idx %arg8[%sub3A_73], %add3A_61 masked %and3A_76 : memref<16384xi32, #tpu.memory_space<vmem>>[vector<16xi32>], vector<16xi32>, vector<16xi1>
          %convert_element_type3A_79 = arith.extui %and3A_76 : vector<16xi1> to vector<16xi32>
          %reduce_sum3A = arith.constant true
          %reduce_sum3A_80 = vector.broadcast %reduce_sum3A : i1 to vector<16xi1>
          %reduce_sum3A_81 = tpu.scan <sum>, %convert_element_type3A_79 masked %reduce_sum3A_80 : vector<16xi32>, vector<16xi1> -> vector<16xi32>
          %reduce_sum3A_82 = vector.extract %reduce_sum3A_81[15] : i32 from vector<16xi32>
          %add3A_83 = arith.constant 16 : i32
          %add3A_84 = vector.broadcast %add3A_83 : i32 to vector<16xi32>
          %add3A_85 = arith.addi %iota3A, %add3A_84 : vector<16xi32>
          %shift_right_arithmetic3A_86 = arith.shrsi %gather3A_57, %add3A_85 : vector<16xi32>
          %and3A_87 = arith.constant 1 : i32
          %and3A_88 = vector.broadcast %and3A_87 : i32 to vector<16xi32>
          %and3A_89 = arith.andi %shift_right_arithmetic3A_86, %and3A_88 : vector<16xi32>
          %eq3A_90 = arith.constant 1 : i32
          %eq3A_91 = vector.broadcast %eq3A_90 : i32 to vector<16xi32>
          %eq3A_92 = arith.cmpi eq, %and3A_89, %eq3A_91 : vector<16xi32>
          %lt3A_93 = arith.constant 4 : i32
          %lt3A_94 = vector.broadcast %lt3A_93 : i32 to vector<16xi32>
          %lt3A_95 = arith.cmpi slt, %iota3A, %lt3A_94 : vector<16xi32>
          %and3A_96 = arith.andi %eq3A_92, %lt3A_95 : vector<16xi1>
          %convert_element_type3A_97 = arith.extui %and3A_96 : vector<16xi1> to vector<16xi32>
          %cumsum3A_98 = arith.constant true
          %cumsum3A_99 = vector.broadcast %cumsum3A_98 : i1 to vector<16xi1>
          %cumsum3A_100 = tpu.scan <sum>, %convert_element_type3A_97 masked %cumsum3A_99 : vector<16xi32>, vector<16xi1> -> vector<16xi32>
          %add3A_101 = arith.addi %while3A_51, %reduce_sum3A_82 : i32
          %add3A_102 = vector.broadcast %add3A_101 : i32 to vector<16xi32>
          %add3A_103 = arith.addi %add3A_102, %cumsum3A_100 : vector<16xi32>
          %sub3A_104 = arith.constant 1 : i32
          %sub3A_105 = vector.broadcast %sub3A_104 : i32 to vector<16xi32>
          %sub3A_106 = arith.subi %add3A_103, %sub3A_105 : vector<16xi32>
          %lt3A_107 = arith.constant 16384 : i32
          %lt3A_108 = vector.broadcast %lt3A_107 : i32 to vector<16xi32>
          %lt3A_109 = arith.cmpi slt, %sub3A_106, %lt3A_108 : vector<16xi32>
          %and3A_110 = arith.andi %and3A_96, %lt3A_109 : vector<16xi1>
          %add3A_111 = arith.constant 16 : i32
          %add3A_112 = arith.addi %mul3A_36, %add3A_111 : i32
          %add3A_113 = vector.broadcast %add3A_112 : i32 to vector<16xi32>
          %add3A_114 = arith.addi %add3A_113, %iota3A : vector<16xi32>
          tpu.vector_store_idx %arg7[%sub3A_106], %add3A_114 masked %and3A_110 : memref<16384xi32, #tpu.memory_space<vmem>>[vector<16xi32>], vector<16xi32>, vector<16xi1>
          tpu.vector_store_idx %arg8[%sub3A_106], %add3A_61 masked %and3A_110 : memref<16384xi32, #tpu.memory_space<vmem>>[vector<16xi32>], vector<16xi32>, vector<16xi1>
          %convert_element_type3A_115 = arith.extui %and3A_110 : vector<16xi1> to vector<16xi32>
          %reduce_sum3A_116 = arith.constant true
          %reduce_sum3A_117 = vector.broadcast %reduce_sum3A_116 : i1 to vector<16xi1>
          %reduce_sum3A_118 = tpu.scan <sum>, %convert_element_type3A_115 masked %reduce_sum3A_117 : vector<16xi32>, vector<16xi1> -> vector<16xi32>
          %reduce_sum3A_119 = vector.extract %reduce_sum3A_118[15] : i32 from vector<16xi32>
          %eq3A_120 = arith.cmpi eq, %iota3A, %all_reduce_ffs3A : vector<16xi32>
          %jit3A = arith.constant 0 : i32
          %broadcast_in_dim3A_121 = vector.broadcast %jit3A : i32 to vector<16xi32>
          %select_n3A = arith.select %eq3A_120, %broadcast_in_dim3A_121, %while3A_52 : vector<16xi1>, vector<16xi32>
          %add3A_122 = arith.addi %while3A_51, %reduce_sum3A_82 : i32
          %add3A_123 = arith.addi %add3A_122, %reduce_sum3A_119 : i32
          scf.yield %add3A_123, %select_n3A : i32, vector<16xi32>
        }
        scf.yield %while3A_50#0 : i32
      }
      %scan3A_42 = arith.constant 625 : i32
      scf.yield %scan3A_41 : i32
    }
    %while3A_20 = arith.constant 1 : i32
    %while3A_21 = scf.for %while3A_30 = %while3A_17 to %while3A_13 step %while3A_20 iter_args(%while3A_31 = %while3A_19) -> (i32)  : i32 {
      %add3A_32 = arith.addi %mul3A_2, %while3A_30 : i32
      %mul3A_33 = arith.constant 10000 : i32
      %mul3A_34 = arith.muli %add3A_32, %mul3A_33 : i32
      "tpu.region"() ({
        %run_scoped3A = tpu.sem_alloc : memref<!tpu.dma_semaphore, #tpu.memory_space<semaphore_mem>>
        %dma_start3A = tpu.memref_slice %arg2[%mul3A_34] : memref<5000000xi32, #tpu.memory_space<hbm>> -> memref<10000xi32, #tpu.memory_space<hbm>>
        %dma_start3A_43 = tpu.memref_slice %arg2[%mul3A_34] : memref<5000000xi32, #tpu.memory_space<hbm>> -> memref<10000xi32, #tpu.memory_space<hbm>>
        tpu.enqueue_dma source(%dma_start3A_43 : memref<10000xi32, #tpu.memory_space<hbm>>) target(%arg6 : memref<10000xi32, #tpu.memory_space<vmem>>) target_semaphore(%run_scoped3A : memref<!tpu.dma_semaphore, #tpu.memory_space<semaphore_mem>>)
        %dma_wait3A = tpu.memref_slice %arg2[%mul3A_34] : memref<5000000xi32, #tpu.memory_space<hbm>> -> memref<10000xi32, #tpu.memory_space<hbm>>
        %dma_wait3A_44 = tpu.memref_slice %arg2[%mul3A_34] : memref<5000000xi32, #tpu.memory_space<hbm>> -> memref<10000xi32, #tpu.memory_space<hbm>>
        tpu.wait_dma2 semaphore(%run_scoped3A : memref<!tpu.dma_semaphore, #tpu.memory_space<semaphore_mem>>) src(%dma_wait3A_44 : memref<10000xi32, #tpu.memory_space<hbm>>) dst(%arg6 : memref<10000xi32, #tpu.memory_space<vmem>>)
        tpu.yield
      }) : () -> ()
      %mul3A_35 = arith.constant 20 : i32
      %mul3A_36 = arith.muli %add3A_32, %mul3A_35 : i32
      %scan3A_37 = arith.constant 0 : i32
      %scan3A_38 = arith.constant 625 : i32
      %scan3A_39 = arith.addi %scan3A_37, %scan3A_38 : i32
      %scan3A_40 = arith.constant 1 : i32
      %scan3A_41 = scf.for %scan3A_43 = %scan3A_37 to %scan3A_39 step %scan3A_40 iter_args(%scan3A_44 = %while3A_31) -> (i32)  : i32 {
        %mul3A_45 = arith.constant 16 : i32
        %mul3A_46 = arith.muli %scan3A_43, %mul3A_45 : i32
        %get3A = arith.index_cast %mul3A_46 : i32 to index
        %get3A_47 = tpu.vector_load %arg6[%get3A] {strides = array<i32>} : memref<10000xi32, #tpu.memory_space<vmem>>, vector<16xi32>,
        %ne3A = arith.constant 0 : i32
        %ne3A_48 = vector.broadcast %ne3A : i32 to vector<16xi32>
        %ne3A_49 = arith.cmpi ne, %get3A_47, %ne3A_48 : vector<16xi32>
        %convert_element_type3A = arith.extui %ne3A_49 : vector<16xi1> to vector<16xi32>
        %while3A_50:2 = scf.while (%while3A_51 = %scan3A_44, %while3A_52 = %convert_element_type3A) : (i32, vector<16xi32>) -> (i32, vector<16xi32>) {
          %ne3A_53 = arith.constant 0 : i32
          %ne3A_54 = vector.broadcast %ne3A_53 : i32 to vector<16xi32>
          %ne3A_55 = arith.cmpi ne, %while3A_52, %ne3A_54 : vector<16xi32>
          %reduce_or3A = arith.constant 1.000000e+00 : f32
          %reduce_or3A_56 = arith.constant 0.000000e+00 : f32
          %reduce_or3A_57 = vector.broadcast %reduce_or3A : f32 to vector<16xf32>
          %reduce_or3A_58 = vector.broadcast %reduce_or3A_56 : f32 to vector<16xf32>
          %reduce_or3A_59 = arith.select %ne3A_55, %reduce_or3A_57, %reduce_or3A_58 : vector<16xi1>, vector<16xf32>
          %reduce_or3A_60 = arith.constant true
          %reduce_or3A_61 = vector.broadcast %reduce_or3A_60 : i1 to vector<16xi1>
          %reduce_or3A_62 = tpu.scan <max>, %reduce_or3A_59 masked %reduce_or3A_61 : vector<16xf32>, vector<16xi1> -> vector<16xf32>
          %reduce_or3A_63 = vector.extract %reduce_or3A_62[15] : f32 from vector<16xf32>
          %reduce_or3A_64 = arith.constant 0.000000e+00 : f32
          %reduce_or3A_65 = arith.cmpf ogt, %reduce_or3A_63, %reduce_or3A_64 : f32
          scf.condition(%reduce_or3A_65) %while3A_51, %while3A_52 : i32, vector<16xi32>
        } do {
        ^bb0(%while3A_51: i32, %while3A_52: vector<16xi32>):
          %ne3A_53 = arith.constant 0 : i32
          %ne3A_54 = vector.broadcast %ne3A_53 : i32 to vector<16xi32>
          %ne3A_55 = arith.cmpi ne, %while3A_52, %ne3A_54 : vector<16xi32>
          %all_reduce_ffs3A = tpu.all_reduce %ne3A_55 {dim = 0 : i64, kind = #tpu.reduction_kind<find_first_set>} : vector<16xi1> -> vector<16xi32>
          %broadcast_in_dim3A_56 = vector.shape_cast %all_reduce_ffs3A : vector<16xi32> to vector<16x1xi32>
          %gather3A = vector.shape_cast %broadcast_in_dim3A_56 : vector<16x1xi32> to vector<16xi32>
          %gather3A_57 = tpu.dynamic_gather %get3A_47[%gather3A] in [0] : vector<16xi32>, vector<16xi32> -> vector<16xi32>
          %mul3A_58 = arith.constant 16 : i32
          %mul3A_59 = arith.muli %scan3A_43, %mul3A_58 : i32
          %add3A_60 = vector.broadcast %mul3A_59 : i32 to vector<16xi32>
          %add3A_61 = arith.addi %add3A_60, %all_reduce_ffs3A : vector<16xi32>
          %shift_right_arithmetic3A = arith.shrsi %gather3A_57, %iota3A : vector<16xi32>
          %and3A = arith.constant 1 : i32
          %and3A_62 = vector.broadcast %and3A : i32 to vector<16xi32>
          %and3A_63 = arith.andi %shift_right_arithmetic3A, %and3A_62 : vector<16xi32>
          %eq3A = arith.constant 1 : i32
          %eq3A_64 = vector.broadcast %eq3A : i32 to vector<16xi32>
          %eq3A_65 = arith.cmpi eq, %and3A_63, %eq3A_64 : vector<16xi32>
          %convert_element_type3A_66 = arith.extui %eq3A_65 : vector<16xi1> to vector<16xi32>
          %cumsum3A = arith.constant true
          %cumsum3A_67 = vector.broadcast %cumsum3A : i1 to vector<16xi1>
          %cumsum3A_68 = tpu.scan <sum>, %convert_element_type3A_66 masked %cumsum3A_67 : vector<16xi32>, vector<16xi1> -> vector<16xi32>
          %add3A_69 = vector.broadcast %while3A_51 : i32 to vector<16xi32>
          %add3A_70 = arith.addi %add3A_69, %cumsum3A_68 : vector<16xi32>
          %sub3A_71 = arith.constant 1 : i32
          %sub3A_72 = vector.broadcast %sub3A_71 : i32 to vector<16xi32>
          %sub3A_73 = arith.subi %add3A_70, %sub3A_72 : vector<16xi32>
          %lt3A = arith.constant 16384 : i32
          %lt3A_74 = vector.broadcast %lt3A : i32 to vector<16xi32>
          %lt3A_75 = arith.cmpi slt, %sub3A_73, %lt3A_74 : vector<16xi32>
          %and3A_76 = arith.andi %eq3A_65, %lt3A_75 : vector<16xi1>
          %add3A_77 = vector.broadcast %mul3A_36 : i32 to vector<16xi32>
          %add3A_78 = arith.addi %add3A_77, %iota3A : vector<16xi32>
          tpu.vector_store_idx %arg7[%sub3A_73], %add3A_78 masked %and3A_76 : memref<16384xi32, #tpu.memory_space<vmem>>[vector<16xi32>], vector<16xi32>, vector<16xi1>
          tpu.vector_store_idx %arg8[%sub3A_73], %add3A_61 masked %and3A_76 : memref<16384xi32, #tpu.memory_space<vmem>>[vector<16xi32>], vector<16xi32>, vector<16xi1>
          %convert_element_type3A_79 = arith.extui %and3A_76 : vector<16xi1> to vector<16xi32>
          %reduce_sum3A = arith.constant true
          %reduce_sum3A_80 = vector.broadcast %reduce_sum3A : i1 to vector<16xi1>
          %reduce_sum3A_81 = tpu.scan <sum>, %convert_element_type3A_79 masked %reduce_sum3A_80 : vector<16xi32>, vector<16xi1> -> vector<16xi32>
          %reduce_sum3A_82 = vector.extract %reduce_sum3A_81[15] : i32 from vector<16xi32>
          %add3A_83 = arith.constant 16 : i32
          %add3A_84 = vector.broadcast %add3A_83 : i32 to vector<16xi32>
          %add3A_85 = arith.addi %iota3A, %add3A_84 : vector<16xi32>
          %shift_right_arithmetic3A_86 = arith.shrsi %gather3A_57, %add3A_85 : vector<16xi32>
          %and3A_87 = arith.constant 1 : i32
          %and3A_88 = vector.broadcast %and3A_87 : i32 to vector<16xi32>
          %and3A_89 = arith.andi %shift_right_arithmetic3A_86, %and3A_88 : vector<16xi32>
          %eq3A_90 = arith.constant 1 : i32
          %eq3A_91 = vector.broadcast %eq3A_90 : i32 to vector<16xi32>
          %eq3A_92 = arith.cmpi eq, %and3A_89, %eq3A_91 : vector<16xi32>
          %lt3A_93 = arith.constant 4 : i32
          %lt3A_94 = vector.broadcast %lt3A_93 : i32 to vector<16xi32>
          %lt3A_95 = arith.cmpi slt, %iota3A, %lt3A_94 : vector<16xi32>
          %and3A_96 = arith.andi %eq3A_92, %lt3A_95 : vector<16xi1>
          %convert_element_type3A_97 = arith.extui %and3A_96 : vector<16xi1> to vector<16xi32>
          %cumsum3A_98 = arith.constant true
          %cumsum3A_99 = vector.broadcast %cumsum3A_98 : i1 to vector<16xi1>
          %cumsum3A_100 = tpu.scan <sum>, %convert_element_type3A_97 masked %cumsum3A_99 : vector<16xi32>, vector<16xi1> -> vector<16xi32>
          %add3A_101 = arith.addi %while3A_51, %reduce_sum3A_82 : i32
          %add3A_102 = vector.broadcast %add3A_101 : i32 to vector<16xi32>
          %add3A_103 = arith.addi %add3A_102, %cumsum3A_100 : vector<16xi32>
          %sub3A_104 = arith.constant 1 : i32
          %sub3A_105 = vector.broadcast %sub3A_104 : i32 to vector<16xi32>
          %sub3A_106 = arith.subi %add3A_103, %sub3A_105 : vector<16xi32>
          %lt3A_107 = arith.constant 16384 : i32
          %lt3A_108 = vector.broadcast %lt3A_107 : i32 to vector<16xi32>
          %lt3A_109 = arith.cmpi slt, %sub3A_106, %lt3A_108 : vector<16xi32>
          %and3A_110 = arith.andi %and3A_96, %lt3A_109 : vector<16xi1>
          %add3A_111 = arith.constant 16 : i32
          %add3A_112 = arith.addi %mul3A_36, %add3A_111 : i32
          %add3A_113 = vector.broadcast %add3A_112 : i32 to vector<16xi32>
          %add3A_114 = arith.addi %add3A_113, %iota3A : vector<16xi32>
          tpu.vector_store_idx %arg7[%sub3A_106], %add3A_114 masked %and3A_110 : memref<16384xi32, #tpu.memory_space<vmem>>[vector<16xi32>], vector<16xi32>, vector<16xi1>
          tpu.vector_store_idx %arg8[%sub3A_106], %add3A_61 masked %and3A_110 : memref<16384xi32, #tpu.memory_space<vmem>>[vector<16xi32>], vector<16xi32>, vector<16xi1>
          %convert_element_type3A_115 = arith.extui %and3A_110 : vector<16xi1> to vector<16xi32>
          %reduce_sum3A_116 = arith.constant true
          %reduce_sum3A_117 = vector.broadcast %reduce_sum3A_116 : i1 to vector<16xi1>
          %reduce_sum3A_118 = tpu.scan <sum>, %convert_element_type3A_115 masked %reduce_sum3A_117 : vector<16xi32>, vector<16xi1> -> vector<16xi32>
          %reduce_sum3A_119 = vector.extract %reduce_sum3A_118[15] : i32 from vector<16xi32>
          %eq3A_120 = arith.cmpi eq, %iota3A, %all_reduce_ffs3A : vector<16xi32>
          %jit3A = arith.constant 0 : i32
          %broadcast_in_dim3A_121 = vector.broadcast %jit3A : i32 to vector<16xi32>
          %select_n3A = arith.select %eq3A_120, %broadcast_in_dim3A_121, %while3A_52 : vector<16xi1>, vector<16xi32>
          %add3A_122 = arith.addi %while3A_51, %reduce_sum3A_82 : i32
          %add3A_123 = arith.addi %add3A_122, %reduce_sum3A_119 : i32
          scf.yield %add3A_123, %select_n3A : i32, vector<16xi32>
        }
        scf.yield %while3A_50#0 : i32
      }
      %scan3A_42 = arith.constant 625 : i32
      scf.yield %scan3A_41 : i32
    }
    %mul3A_22 = arith.constant 16384 : i32
    %mul3A_23 = arith.muli %add3A, %mul3A_22 : i32
    "tpu.region"() ({
      %run_scoped3A = tpu.sem_alloc : memref<!tpu.dma_semaphore, #tpu.memory_space<semaphore_mem>>
      %dma_start3A = tpu.memref_slice %arg3[%mul3A_23] : memref<524288xi32, #tpu.memory_space<hbm>> -> memref<16384xi32, #tpu.memory_space<hbm>>
      %dma_start3A_30 = tpu.memref_slice %arg3[%mul3A_23] : memref<524288xi32, #tpu.memory_space<hbm>> -> memref<16384xi32, #tpu.memory_space<hbm>>
      tpu.enqueue_dma source(%arg7 : memref<16384xi32, #tpu.memory_space<vmem>>) target(%dma_start3A_30 : memref<16384xi32, #tpu.memory_space<hbm>>) target_semaphore(%run_scoped3A : memref<!tpu.dma_semaphore, #tpu.memory_space<semaphore_mem>>)
      %dma_wait3A = tpu.memref_slice %arg3[%mul3A_23] : memref<524288xi32, #tpu.memory_space<hbm>> -> memref<16384xi32, #tpu.memory_space<hbm>>
      %dma_wait3A_31 = tpu.memref_slice %arg3[%mul3A_23] : memref<524288xi32, #tpu.memory_space<hbm>> -> memref<16384xi32, #tpu.memory_space<hbm>>
      tpu.wait_dma2 semaphore(%run_scoped3A : memref<!tpu.dma_semaphore, #tpu.memory_space<semaphore_mem>>) src(%arg7 : memref<16384xi32, #tpu.memory_space<vmem>>) dst(%dma_wait3A_31 : memref<16384xi32, #tpu.memory_space<hbm>>)
      tpu.yield
    }) : () -> ()
    %mul3A_24 = arith.constant 16384 : i32
    %mul3A_25 = arith.muli %add3A, %mul3A_24 : i32
    "tpu.region"() ({
      %run_scoped3A = tpu.sem_alloc : memref<!tpu.dma_semaphore, #tpu.memory_space<semaphore_mem>>
      %dma_start3A = tpu.memref_slice %arg4[%mul3A_25] : memref<524288xi32, #tpu.memory_space<hbm>> -> memref<16384xi32, #tpu.memory_space<hbm>>
      %dma_start3A_30 = tpu.memref_slice %arg4[%mul3A_25] : memref<524288xi32, #tpu.memory_space<hbm>> -> memref<16384xi32, #tpu.memory_space<hbm>>
      tpu.enqueue_dma source(%arg8 : memref<16384xi32, #tpu.memory_space<vmem>>) target(%dma_start3A_30 : memref<16384xi32, #tpu.memory_space<hbm>>) target_semaphore(%run_scoped3A : memref<!tpu.dma_semaphore, #tpu.memory_space<semaphore_mem>>)
      %dma_wait3A = tpu.memref_slice %arg4[%mul3A_25] : memref<524288xi32, #tpu.memory_space<hbm>> -> memref<16384xi32, #tpu.memory_space<hbm>>
      %dma_wait3A_31 = tpu.memref_slice %arg4[%mul3A_25] : memref<524288xi32, #tpu.memory_space<hbm>> -> memref<16384xi32, #tpu.memory_space<hbm>>
      tpu.wait_dma2 semaphore(%run_scoped3A : memref<!tpu.dma_semaphore, #tpu.memory_space<semaphore_mem>>) src(%arg8 : memref<16384xi32, #tpu.memory_space<vmem>>) dst(%dma_wait3A_31 : memref<16384xi32, #tpu.memory_space<hbm>>)
      tpu.yield
    }) : () -> ()
    %broadcast_in_dim3A_26 = vector.broadcast %while3A_21 : i32 to vector<16xi32>
    %swap3A = arith.constant 0 : index
    %swap3A_27 = tpu.vector_load %arg9[%swap3A] {strides = array<i32>} : memref<16xi32, #tpu.memory_space<vmem>>, vector<16xi32>,
    tpu.vector_store %arg9[%swap3A], %broadcast_in_dim3A_26 {strides = array<i32>} : memref<16xi32, #tpu.memory_space<vmem>>, vector<16xi32>,
    %mul3A_28 = arith.constant 16 : i32
    %mul3A_29 = arith.muli %add3A, %mul3A_28 : i32
    "tpu.region"() ({
      %run_scoped3A = tpu.sem_alloc : memref<!tpu.dma_semaphore, #tpu.memory_space<semaphore_mem>>
      %dma_start3A = tpu.memref_slice %arg5[%mul3A_29] : memref<512xi32, #tpu.memory_space<hbm>> -> memref<16xi32, #tpu.memory_space<hbm>>
      %dma_start3A_30 = tpu.memref_slice %arg5[%mul3A_29] : memref<512xi32, #tpu.memory_space<hbm>> -> memref<16xi32, #tpu.memory_space<hbm>>
      tpu.enqueue_dma source(%arg9 : memref<16xi32, #tpu.memory_space<vmem>>) target(%dma_start3A_30 : memref<16xi32, #tpu.memory_space<hbm>>) target_semaphore(%run_scoped3A : memref<!tpu.dma_semaphore, #tpu.memory_space<semaphore_mem>>)
      %dma_wait3A = tpu.memref_slice %arg5[%mul3A_29] : memref<512xi32, #tpu.memory_space<hbm>> -> memref<16xi32, #tpu.memory_space<hbm>>
      %dma_wait3A_31 = tpu.memref_slice %arg5[%mul3A_29] : memref<512xi32, #tpu.memory_space<hbm>> -> memref<16xi32, #tpu.memory_space<hbm>>
      tpu.wait_dma2 semaphore(%run_scoped3A : memref<!tpu.dma_semaphore, #tpu.memory_space<semaphore_mem>>) src(%arg9 : memref<16xi32, #tpu.memory_space<vmem>>) dst(%dma_wait3A_31 : memref<16xi32, #tpu.memory_space<hbm>>)
      tpu.yield
    }) : () -> ()
    return
  }
}

#map = affine_map<(d0, d1) -> (0)>
#map1 = affine_map<(d0, d1) -> (0, 0)>
module attributes {stable_mosaic.version = 14 : i64} {
  func.func @_sk2_body(%arg0: i32, %arg1: i32, %arg2: memref<166400xf32, #tpu.memory_space<hbm>>, %arg3: memref<10000x128xf32, #tpu.memory_space<hbm>>, %arg4: memref<524288xi32, #tpu.memory_space<hbm>>, %arg5: memref<524288xi32, #tpu.memory_space<hbm>>, %arg6: memref<512xi32, #tpu.memory_space<hbm>>, %arg7: memref<499200xf32, #tpu.memory_space<hbm>>, %arg8: memref<16384xi32, #tpu.memory_space<vmem>>, %arg9: memref<16384xi32, #tpu.memory_space<vmem>>, %arg10: memref<5120xf32, #tpu.memory_space<vmem>>, %arg11: memref<15360xf32, #tpu.memory_space<vmem>>, %arg12: memref<128x128xf32, #tpu.memory_space<vmem>>, %arg13: memref<512xi32, #tpu.memory_space<vmem>>, %arg14: memref<!tpu.dma_semaphore, #tpu.memory_space<semaphore_mem>>) attributes {dimension_semantics = [#tpu.dimension_semantics<core_parallel>, #tpu.dimension_semantics<subcore_parallel>], iteration_bounds = array<i64: 2, 16>, scalar_prefetch = 0 : i64, scratch_operands = 7 : i64, tpu.core_type = #tpu.core_type<sc_vector_subcore>, window_params = [{transform_indices = #map}, {transform_indices = #map1}, {transform_indices = #map}, {transform_indices = #map}, {transform_indices = #map}, {transform_indices = #map}]} {
    %mul3A = arith.constant 2 : i32
    %mul3A_0 = arith.muli %arg1, %mul3A : i32
    %add3A = arith.addi %mul3A_0, %arg0 : i32
    %mul3A_1 = arith.constant 16 : i32
    %mul3A_2 = arith.muli %add3A, %mul3A_1 : i32
    %mul3A_3 = arith.constant 20 : i32
    %mul3A_4 = arith.muli %mul3A_2, %mul3A_3 : i32
    %iota3A = tpu.iota {dimensions = array<i32: 0>} : vector<16xi32>
    %broadcast_in_dim3A = arith.constant 0.000000e+00 : f32
    %broadcast_in_dim3A_5 = vector.broadcast %broadcast_in_dim3A : f32 to vector<16xf32>
    %scan3A = arith.constant 0 : i32
    %scan3A_6 = arith.constant 0 : i32
    %scan3A_7 = arith.constant 960 : i32
    %scan3A_8 = arith.addi %scan3A_6, %scan3A_7 : i32
    %scan3A_9 = arith.constant 1 : i32
    scf.for %scan3A_51 = %scan3A_6 to %scan3A_8 step %scan3A_9  : i32 {
      %mul3A_52 = arith.constant 16 : i32
      %mul3A_53 = arith.muli %scan3A_51, %mul3A_52 : i32
      %swap3A = arith.index_cast %mul3A_53 : i32 to index
      %swap3A_54 = tpu.vector_load %arg11[%swap3A] {strides = array<i32>} : memref<15360xf32, #tpu.memory_space<vmem>>, vector<16xf32>,
      tpu.vector_store %arg11[%swap3A], %broadcast_in_dim3A_5 {strides = array<i32>} : memref<15360xf32, #tpu.memory_space<vmem>>, vector<16xf32>,
    }
    %scan3A_10 = arith.constant 960 : i32
    %mul3A_11 = arith.constant 16 : i32
    %mul3A_12 = arith.muli %mul3A_4, %mul3A_11 : i32
    "tpu.region"() ({
      %run_scoped3A = tpu.sem_alloc : memref<!tpu.dma_semaphore, #tpu.memory_space<semaphore_mem>>
      %dma_start3A = tpu.memref_slice %arg2[%mul3A_12] : memref<166400xf32, #tpu.memory_space<hbm>> -> memref<5120xf32, #tpu.memory_space<hbm>>
      %dma_start3A_51 = tpu.memref_slice %arg2[%mul3A_12] : memref<166400xf32, #tpu.memory_space<hbm>> -> memref<5120xf32, #tpu.memory_space<hbm>>
      tpu.enqueue_dma source(%dma_start3A_51 : memref<5120xf32, #tpu.memory_space<hbm>>) target(%arg10 : memref<5120xf32, #tpu.memory_space<vmem>>) target_semaphore(%run_scoped3A : memref<!tpu.dma_semaphore, #tpu.memory_space<semaphore_mem>>)
      %dma_wait3A = tpu.memref_slice %arg2[%mul3A_12] : memref<166400xf32, #tpu.memory_space<hbm>> -> memref<5120xf32, #tpu.memory_space<hbm>>
      %dma_wait3A_52 = tpu.memref_slice %arg2[%mul3A_12] : memref<166400xf32, #tpu.memory_space<hbm>> -> memref<5120xf32, #tpu.memory_space<hbm>>
      tpu.wait_dma2 semaphore(%run_scoped3A : memref<!tpu.dma_semaphore, #tpu.memory_space<semaphore_mem>>) src(%dma_wait3A_52 : memref<5120xf32, #tpu.memory_space<hbm>>) dst(%arg10 : memref<5120xf32, #tpu.memory_space<vmem>>)
      tpu.yield
    }) : () -> ()
    %mul3A_13 = arith.constant 16384 : i32
    %mul3A_14 = arith.muli %add3A, %mul3A_13 : i32
    "tpu.region"() ({
      %run_scoped3A = tpu.sem_alloc : memref<!tpu.dma_semaphore, #tpu.memory_space<semaphore_mem>>
      %dma_start3A = tpu.memref_slice %arg4[%mul3A_14] : memref<524288xi32, #tpu.memory_space<hbm>> -> memref<16384xi32, #tpu.memory_space<hbm>>
      %dma_start3A_51 = tpu.memref_slice %arg4[%mul3A_14] : memref<524288xi32, #tpu.memory_space<hbm>> -> memref<16384xi32, #tpu.memory_space<hbm>>
      tpu.enqueue_dma source(%dma_start3A_51 : memref<16384xi32, #tpu.memory_space<hbm>>) target(%arg8 : memref<16384xi32, #tpu.memory_space<vmem>>) target_semaphore(%run_scoped3A : memref<!tpu.dma_semaphore, #tpu.memory_space<semaphore_mem>>)
      %dma_wait3A = tpu.memref_slice %arg4[%mul3A_14] : memref<524288xi32, #tpu.memory_space<hbm>> -> memref<16384xi32, #tpu.memory_space<hbm>>
      %dma_wait3A_52 = tpu.memref_slice %arg4[%mul3A_14] : memref<524288xi32, #tpu.memory_space<hbm>> -> memref<16384xi32, #tpu.memory_space<hbm>>
      tpu.wait_dma2 semaphore(%run_scoped3A : memref<!tpu.dma_semaphore, #tpu.memory_space<semaphore_mem>>) src(%dma_wait3A_52 : memref<16384xi32, #tpu.memory_space<hbm>>) dst(%arg8 : memref<16384xi32, #tpu.memory_space<vmem>>)
      tpu.yield
    }) : () -> ()
    %mul3A_15 = arith.constant 16384 : i32
    %mul3A_16 = arith.muli %add3A, %mul3A_15 : i32
    "tpu.region"() ({
      %run_scoped3A = tpu.sem_alloc : memref<!tpu.dma_semaphore, #tpu.memory_space<semaphore_mem>>
      %dma_start3A = tpu.memref_slice %arg5[%mul3A_16] : memref<524288xi32, #tpu.memory_space<hbm>> -> memref<16384xi32, #tpu.memory_space<hbm>>
      %dma_start3A_51 = tpu.memref_slice %arg5[%mul3A_16] : memref<524288xi32, #tpu.memory_space<hbm>> -> memref<16384xi32, #tpu.memory_space<hbm>>
      tpu.enqueue_dma source(%dma_start3A_51 : memref<16384xi32, #tpu.memory_space<hbm>>) target(%arg9 : memref<16384xi32, #tpu.memory_space<vmem>>) target_semaphore(%run_scoped3A : memref<!tpu.dma_semaphore, #tpu.memory_space<semaphore_mem>>)
      %dma_wait3A = tpu.memref_slice %arg5[%mul3A_16] : memref<524288xi32, #tpu.memory_space<hbm>> -> memref<16384xi32, #tpu.memory_space<hbm>>
      %dma_wait3A_52 = tpu.memref_slice %arg5[%mul3A_16] : memref<524288xi32, #tpu.memory_space<hbm>> -> memref<16384xi32, #tpu.memory_space<hbm>>
      tpu.wait_dma2 semaphore(%run_scoped3A : memref<!tpu.dma_semaphore, #tpu.memory_space<semaphore_mem>>) src(%dma_wait3A_52 : memref<16384xi32, #tpu.memory_space<hbm>>) dst(%arg9 : memref<16384xi32, #tpu.memory_space<vmem>>)
      tpu.yield
    }) : () -> ()
    "tpu.region"() ({
      %run_scoped3A = tpu.sem_alloc : memref<!tpu.dma_semaphore, #tpu.memory_space<semaphore_mem>>
      tpu.enqueue_dma source(%arg6 : memref<512xi32, #tpu.memory_space<hbm>>) target(%arg13 : memref<512xi32, #tpu.memory_space<vmem>>) target_semaphore(%run_scoped3A : memref<!tpu.dma_semaphore, #tpu.memory_space<semaphore_mem>>)
      tpu.wait_dma2 semaphore(%run_scoped3A : memref<!tpu.dma_semaphore, #tpu.memory_space<semaphore_mem>>) src(%arg6 : memref<512xi32, #tpu.memory_space<hbm>>) dst(%arg13 : memref<512xi32, #tpu.memory_space<vmem>>)
      tpu.yield
    }) : () -> ()
    %mul3A_17 = arith.constant 16 : i32
    %mul3A_18 = arith.muli %add3A, %mul3A_17 : i32
    %get3A = arith.index_cast %mul3A_18 : i32 to index
    %get3A_19 = tpu.vector_load %arg13[%get3A] {strides = array<i32>} : memref<512xi32, #tpu.memory_space<vmem>>, vector<16xi32>,
    %slice3A = vector.extract_strided_slice %get3A_19 {offsets = [0], sizes = [1], strides = [1]} : vector<16xi32> to vector<1xi32>
    %squeeze3A = vector.extract %slice3A[0] : i32 from vector<1xi32>
    %add3A_20 = arith.constant 128 : i32
    %add3A_21 = arith.addi %squeeze3A, %add3A_20 : i32
    %sub3A = arith.constant 1 : i32
    %sub3A_22 = arith.subi %add3A_21, %sub3A : i32
    %jit3A = arith.constant 128 : i32
    %div3A = arith.divsi %sub3A_22, %jit3A : i32
    %sign3A = arith.constant 0 : i32
    %sign3A_23 = arith.cmpi sgt, %sub3A_22, %sign3A : i32
    %sign3A_24 = arith.extui %sign3A_23 : i1 to i32
    %sign3A_25 = arith.constant 0 : i32
    %sign3A_26 = arith.cmpi slt, %sub3A_22, %sign3A_25 : i32
    %sign3A_27 = arith.extui %sign3A_26 : i1 to i32
    %sign3A_28 = arith.subi %sign3A_24, %sign3A_27 : i32
    %sign3A_29 = arith.constant 0 : i32
    %sign3A_30 = arith.cmpi sgt, %jit3A, %sign3A_29 : i32
    %sign3A_31 = arith.extui %sign3A_30 : i1 to i32
    %sign3A_32 = arith.constant 0 : i32
    %sign3A_33 = arith.cmpi slt, %jit3A, %sign3A_32 : i32
    %sign3A_34 = arith.extui %sign3A_33 : i1 to i32
    %sign3A_35 = arith.subi %sign3A_31, %sign3A_34 : i32
    %ne3A = arith.cmpi ne, %sign3A_28, %sign3A_35 : i32
    %rem3A = arith.remsi %sub3A_22, %jit3A : i32
    %ne3A_36 = arith.constant 0 : i32
    %ne3A_37 = arith.cmpi ne, %rem3A, %ne3A_36 : i32
    %and3A = arith.andi %ne3A, %ne3A_37 : i1
    %sub3A_38 = arith.constant 1 : i32
    %sub3A_39 = arith.subi %div3A, %sub3A_38 : i32
    %select_n3A = arith.select %and3A, %sub3A_39, %div3A : i32
    %while3A = arith.constant 0 : i32
    %while3A_40 = arith.constant 0 : i32
    %while3A_41 = arith.subi %select_n3A, %while3A_40 : i32
    %while3A_42 = arith.addi %while3A_40, %while3A_41 : i32
    %while3A_43 = arith.constant 1 : i32
    %while3A_44 = arith.divsi %while3A_41, %while3A_43 : i32
    %while3A_45 = arith.muli %while3A_44, %while3A_43 : i32
    %while3A_46 = arith.addi %while3A_40, %while3A_45 : i32
    %while3A_47 = arith.constant 1 : i32
    scf.for %while3A_51 = %while3A_40 to %while3A_46 step %while3A_47  : i32 {
      %mul3A_52 = arith.constant 128 : i32
      %mul3A_53 = arith.muli %while3A_51, %mul3A_52 : i32
      %dma_start3A = tpu.memref_slice %arg9[%mul3A_53] : memref<16384xi32, #tpu.memory_space<vmem>> -> memref<128xi32, #tpu.memory_space<vmem>>
      %dma_start3A_54 = arith.constant 0 : i32
      %dma_start3A_55 = arith.constant 0 : i32
      %dma_start3A_56 = tpu.memref_slice %arg3[%dma_start3A_54, %dma_start3A_55] : memref<10000x128xf32, #tpu.memory_space<hbm>> -> memref<10000x128xf32, #tpu.memory_space<hbm>>
      tpu.enqueue_indirect_dma source(%dma_start3A_56 : memref<10000x128xf32, #tpu.memory_space<hbm>>) target(%arg12 : memref<128x128xf32, #tpu.memory_space<vmem>>) offsets(%dma_start3A : memref<128xi32, #tpu.memory_space<vmem>>) semaphore(%arg14 : memref<!tpu.dma_semaphore, #tpu.memory_space<semaphore_mem>>)
      %dma_wait3A = tpu.memref_slice %arg9[%mul3A_53] : memref<16384xi32, #tpu.memory_space<vmem>> -> memref<128xi32, #tpu.memory_space<vmem>>
      %dma_wait3A_57 = arith.constant 0 : i32
      %dma_wait3A_58 = arith.constant 0 : i32
      %dma_wait3A_59 = tpu.memref_slice %arg3[%dma_wait3A_57, %dma_wait3A_58] : memref<10000x128xf32, #tpu.memory_space<hbm>> -> memref<10000x128xf32, #tpu.memory_space<hbm>>
      tpu.wait_indirect_dma semaphore(%arg14 : memref<!tpu.dma_semaphore, #tpu.memory_space<semaphore_mem>>) src(%dma_wait3A_59 : memref<10000x128xf32, #tpu.memory_space<hbm>>) dst(%arg12 : memref<128x128xf32, #tpu.memory_space<vmem>>)
      %mul3A_60 = arith.constant 128 : i32
      %mul3A_61 = arith.muli %while3A_51, %mul3A_60 : i32
      %sub3A_62 = arith.subi %squeeze3A, %mul3A_61 : i32
      %min3A = arith.constant 128 : i32
      %min3A_63 = arith.minsi %min3A, %sub3A_62 : i32
      %scan3A_64 = arith.constant 0 : i32
      %scan3A_65 = arith.constant 0 : i32
      %scan3A_66 = arith.constant 8 : i32
      %scan3A_67 = arith.addi %scan3A_65, %scan3A_66 : i32
      %scan3A_68 = arith.constant 1 : i32
      scf.for %scan3A_70 = %scan3A_65 to %scan3A_67 step %scan3A_68  : i32 {
        %mul3A_71 = arith.constant 128 : i32
        %mul3A_72 = arith.muli %while3A_51, %mul3A_71 : i32
        %mul3A_73 = arith.constant 16 : i32
        %mul3A_74 = arith.muli %scan3A_70, %mul3A_73 : i32
        %add3A_75 = arith.addi %mul3A_72, %mul3A_74 : i32
        %get3A_76 = arith.index_cast %add3A_75 : i32 to index
        %get3A_77 = tpu.vector_load %arg8[%get3A_76] {strides = array<i32>} : memref<16384xi32, #tpu.memory_space<vmem>>, vector<16xi32>,
        %mul3A_78 = arith.constant 16 : i32
        %mul3A_79 = arith.muli %scan3A_70, %mul3A_78 : i32
        %sub3A_80 = arith.subi %min3A_63, %mul3A_79 : i32
        %jit3A_81 = arith.constant 0 : i32
        %jit3A_82 = arith.constant 16 : i32
        %max3A = arith.maxsi %jit3A_81, %sub3A_80 : i32
        %min3A_83 = arith.minsi %jit3A_82, %max3A : i32
        %while3A_84 = arith.constant 0 : i32
        %while3A_85 = arith.constant 0 : i32
        %while3A_86 = arith.subi %min3A_83, %while3A_85 : i32
        %while3A_87 = arith.addi %while3A_85, %while3A_86 : i32
        %while3A_88 = arith.constant 1 : i32
        %while3A_89 = arith.divsi %while3A_86, %while3A_88 : i32
        %while3A_90 = arith.muli %while3A_89, %while3A_88 : i32
        %while3A_91 = arith.addi %while3A_85, %while3A_90 : i32
        %while3A_92 = arith.constant 1 : i32
        scf.for %while3A_94 = %while3A_85 to %while3A_91 step %while3A_92  : i32 {
          %eq3A = vector.broadcast %while3A_94 : i32 to vector<16xi32>
          %eq3A_95 = arith.cmpi eq, %iota3A, %eq3A : vector<16xi32>
          %jit3A_96 = arith.constant 0 : i32
          %broadcast_in_dim3A_97 = vector.broadcast %jit3A_96 : i32 to vector<16xi32>
          %select_n3A_98 = arith.select %eq3A_95, %get3A_77, %broadcast_in_dim3A_97 : vector<16xi1>, vector<16xi32>
          %reduce_sum3A = arith.constant true
          %reduce_sum3A_99 = vector.broadcast %reduce_sum3A : i1 to vector<16xi1>
          %reduce_sum3A_100 = tpu.scan <sum>, %select_n3A_98 masked %reduce_sum3A_99 : vector<16xi32>, vector<16xi1> -> vector<16xi32>
          %reduce_sum3A_101 = vector.extract %reduce_sum3A_100[15] : i32 from vector<16xi32>
          %sub3A_102 = arith.subi %reduce_sum3A_101, %mul3A_4 : i32
          %mul3A_103 = arith.constant 16 : i32
          %mul3A_104 = arith.muli %scan3A_70, %mul3A_103 : i32
          %add3A_105 = arith.addi %mul3A_104, %while3A_94 : i32
          %mul3A_106 = arith.constant 16 : i32
          %mul3A_107 = arith.muli %sub3A_102, %mul3A_106 : i32
          %get3A_108 = arith.index_cast %mul3A_107 : i32 to index
          %get3A_109 = tpu.vector_load %arg10[%get3A_108] {strides = array<i32>} : memref<5120xf32, #tpu.memory_space<vmem>>, vector<16xf32>,
          %get3A_110 = arith.index_cast %add3A_105 : i32 to index
          %get3A_111 = arith.constant 0 : index
          %get3A_112 = tpu.vector_load %arg12[%get3A_110, %get3A_111] {strides = array<i32>} : memref<128x128xf32, #tpu.memory_space<vmem>>, vector<16xf32>,
          %mul3A_113 = arith.mulf %get3A_109, %get3A_112 : vector<16xf32>
          %add3A_114 = arith.constant 2 : i32
          %add3A_115 = vector.broadcast %add3A_114 : i32 to vector<16xi32>
          %add3A_116 = arith.addi %iota3A, %add3A_115 : vector<16xi32>
          %and3A_117 = arith.constant 15 : i32
          %and3A_118 = vector.broadcast %and3A_117 : i32 to vector<16xi32>
          %and3A_119 = arith.andi %add3A_116, %and3A_118 : vector<16xi32>
          %broadcast_in_dim3A_120 = vector.shape_cast %and3A_119 : vector<16xi32> to vector<16x1xi32>
          %gather3A = vector.shape_cast %broadcast_in_dim3A_120 : vector<16x1xi32> to vector<16xi32>
          %gather3A_121 = tpu.dynamic_gather %mul3A_113[%gather3A] in [0] : vector<16xf32>, vector<16xi32> -> vector<16xf32>
          %min3A_122 = arith.minimumf %mul3A_113, %gather3A_121 : vector<16xf32>
          %lt3A = arith.constant 2 : i32
          %lt3A_123 = vector.broadcast %lt3A : i32 to vector<16xi32>
          %lt3A_124 = arith.cmpi slt, %iota3A, %lt3A_123 : vector<16xi32>
          %jit3A_125 = arith.constant 0.000000e+00 : f32
          %broadcast_in_dim3A_126 = vector.broadcast %jit3A_125 : f32 to vector<16xf32>
          %select_n3A_127 = arith.select %lt3A_124, %min3A_122, %broadcast_in_dim3A_126 : vector<16xi1>, vector<16xf32>
          %mul3A_128 = arith.constant 48 : i32
          %mul3A_129 = arith.muli %sub3A_102, %mul3A_128 : i32
          %swap3A = arith.index_cast %mul3A_129 : i32 to index
          %swap3A_130 = tpu.vector_load %arg11[%swap3A] {strides = array<i32>} : memref<15360xf32, #tpu.memory_space<vmem>>, vector<16xf32>,
          tpu.vector_store %arg11[%swap3A], %select_n3A_127 {add = true, strides = array<i32>} : memref<15360xf32, #tpu.memory_space<vmem>>, vector<16xf32>,
          %broadcast_in_dim3A_131 = arith.constant 0 : i32
          %broadcast_in_dim3A_132 = vector.broadcast %broadcast_in_dim3A_131 : i32 to vector<16xi32>
          %broadcast_in_dim3A_133 = vector.shape_cast %broadcast_in_dim3A_132 : vector<16xi32> to vector<16x1xi32>
          %gather3A_134 = vector.shape_cast %broadcast_in_dim3A_133 : vector<16x1xi32> to vector<16xi32>
          %gather3A_135 = tpu.dynamic_gather %min3A_122[%gather3A_134] in [0] : vector<16xf32>, vector<16xi32> -> vector<16xf32>
          %broadcast_in_dim3A_136 = arith.constant 1 : i32
          %broadcast_in_dim3A_137 = vector.broadcast %broadcast_in_dim3A_136 : i32 to vector<16xi32>
          %broadcast_in_dim3A_138 = vector.shape_cast %broadcast_in_dim3A_137 : vector<16xi32> to vector<16x1xi32>
          %gather3A_139 = vector.shape_cast %broadcast_in_dim3A_138 : vector<16x1xi32> to vector<16xi32>
          %gather3A_140 = tpu.dynamic_gather %min3A_122[%gather3A_139] in [0] : vector<16xf32>, vector<16xi32> -> vector<16xf32>
          %get3A_141 = arith.index_cast %add3A_105 : i32 to index
          %get3A_142 = arith.constant 16 : index
          %get3A_143 = tpu.vector_load %arg12[%get3A_141, %get3A_142] {strides = array<i32>} : memref<128x128xf32, #tpu.memory_space<vmem>>, vector<16xf32>,
          %get3A_144 = arith.index_cast %add3A_105 : i32 to index
          %get3A_145 = arith.constant 32 : index
          %get3A_146 = tpu.vector_load %arg12[%get3A_144, %get3A_145] {strides = array<i32>} : memref<128x128xf32, #tpu.memory_space<vmem>>, vector<16xf32>,
          %mul3A_147 = arith.constant 48 : i32
          %mul3A_148 = arith.muli %sub3A_102, %mul3A_147 : i32
          %add3A_149 = arith.constant 16 : i32
          %add3A_150 = arith.addi %mul3A_148, %add3A_149 : i32
          %mul3A_151 = arith.mulf %gather3A_135, %get3A_143 : vector<16xf32>
          %swap3A_152 = arith.index_cast %add3A_150 : i32 to index
          %swap3A_153 = tpu.vector_load %arg11[%swap3A_152] {strides = array<i32>} : memref<15360xf32, #tpu.memory_space<vmem>>, vector<16xf32>,
          tpu.vector_store %arg11[%swap3A_152], %mul3A_151 {add = true, strides = array<i32>} : memref<15360xf32, #tpu.memory_space<vmem>>, vector<16xf32>,
          %mul3A_154 = arith.constant 48 : i32
          %mul3A_155 = arith.muli %sub3A_102, %mul3A_154 : i32
          %add3A_156 = arith.constant 32 : i32
          %add3A_157 = arith.addi %mul3A_155, %add3A_156 : i32
          %mul3A_158 = arith.mulf %gather3A_140, %get3A_146 : vector<16xf32>
          %swap3A_159 = arith.index_cast %add3A_157 : i32 to index
          %swap3A_160 = tpu.vector_load %arg11[%swap3A_159] {strides = array<i32>} : memref<15360xf32, #tpu.memory_space<vmem>>, vector<16xf32>,
          tpu.vector_store %arg11[%swap3A_159], %mul3A_158 {add = true, strides = array<i32>} : memref<15360xf32, #tpu.memory_space<vmem>>, vector<16xf32>,
        }
        %while3A_93 = arith.constant 1 : i32
        scf.for %while3A_94 = %while3A_91 to %while3A_87 step %while3A_93  : i32 {
          %eq3A = vector.broadcast %while3A_94 : i32 to vector<16xi32>
          %eq3A_95 = arith.cmpi eq, %iota3A, %eq3A : vector<16xi32>
          %jit3A_96 = arith.constant 0 : i32
          %broadcast_in_dim3A_97 = vector.broadcast %jit3A_96 : i32 to vector<16xi32>
          %select_n3A_98 = arith.select %eq3A_95, %get3A_77, %broadcast_in_dim3A_97 : vector<16xi1>, vector<16xi32>
          %reduce_sum3A = arith.constant true
          %reduce_sum3A_99 = vector.broadcast %reduce_sum3A : i1 to vector<16xi1>
          %reduce_sum3A_100 = tpu.scan <sum>, %select_n3A_98 masked %reduce_sum3A_99 : vector<16xi32>, vector<16xi1> -> vector<16xi32>
          %reduce_sum3A_101 = vector.extract %reduce_sum3A_100[15] : i32 from vector<16xi32>
          %sub3A_102 = arith.subi %reduce_sum3A_101, %mul3A_4 : i32
          %mul3A_103 = arith.constant 16 : i32
          %mul3A_104 = arith.muli %scan3A_70, %mul3A_103 : i32
          %add3A_105 = arith.addi %mul3A_104, %while3A_94 : i32
          %mul3A_106 = arith.constant 16 : i32
          %mul3A_107 = arith.muli %sub3A_102, %mul3A_106 : i32
          %get3A_108 = arith.index_cast %mul3A_107 : i32 to index
          %get3A_109 = tpu.vector_load %arg10[%get3A_108] {strides = array<i32>} : memref<5120xf32, #tpu.memory_space<vmem>>, vector<16xf32>,
          %get3A_110 = arith.index_cast %add3A_105 : i32 to index
          %get3A_111 = arith.constant 0 : index
          %get3A_112 = tpu.vector_load %arg12[%get3A_110, %get3A_111] {strides = array<i32>} : memref<128x128xf32, #tpu.memory_space<vmem>>, vector<16xf32>,
          %mul3A_113 = arith.mulf %get3A_109, %get3A_112 : vector<16xf32>
          %add3A_114 = arith.constant 2 : i32
          %add3A_115 = vector.broadcast %add3A_114 : i32 to vector<16xi32>
          %add3A_116 = arith.addi %iota3A, %add3A_115 : vector<16xi32>
          %and3A_117 = arith.constant 15 : i32
          %and3A_118 = vector.broadcast %and3A_117 : i32 to vector<16xi32>
          %and3A_119 = arith.andi %add3A_116, %and3A_118 : vector<16xi32>
          %broadcast_in_dim3A_120 = vector.shape_cast %and3A_119 : vector<16xi32> to vector<16x1xi32>
          %gather3A = vector.shape_cast %broadcast_in_dim3A_120 : vector<16x1xi32> to vector<16xi32>
          %gather3A_121 = tpu.dynamic_gather %mul3A_113[%gather3A] in [0] : vector<16xf32>, vector<16xi32> -> vector<16xf32>
          %min3A_122 = arith.minimumf %mul3A_113, %gather3A_121 : vector<16xf32>
          %lt3A = arith.constant 2 : i32
          %lt3A_123 = vector.broadcast %lt3A : i32 to vector<16xi32>
          %lt3A_124 = arith.cmpi slt, %iota3A, %lt3A_123 : vector<16xi32>
          %jit3A_125 = arith.constant 0.000000e+00 : f32
          %broadcast_in_dim3A_126 = vector.broadcast %jit3A_125 : f32 to vector<16xf32>
          %select_n3A_127 = arith.select %lt3A_124, %min3A_122, %broadcast_in_dim3A_126 : vector<16xi1>, vector<16xf32>
          %mul3A_128 = arith.constant 48 : i32
          %mul3A_129 = arith.muli %sub3A_102, %mul3A_128 : i32
          %swap3A = arith.index_cast %mul3A_129 : i32 to index
          %swap3A_130 = tpu.vector_load %arg11[%swap3A] {strides = array<i32>} : memref<15360xf32, #tpu.memory_space<vmem>>, vector<16xf32>,
          tpu.vector_store %arg11[%swap3A], %select_n3A_127 {add = true, strides = array<i32>} : memref<15360xf32, #tpu.memory_space<vmem>>, vector<16xf32>,
          %broadcast_in_dim3A_131 = arith.constant 0 : i32
          %broadcast_in_dim3A_132 = vector.broadcast %broadcast_in_dim3A_131 : i32 to vector<16xi32>
          %broadcast_in_dim3A_133 = vector.shape_cast %broadcast_in_dim3A_132 : vector<16xi32> to vector<16x1xi32>
          %gather3A_134 = vector.shape_cast %broadcast_in_dim3A_133 : vector<16x1xi32> to vector<16xi32>
          %gather3A_135 = tpu.dynamic_gather %min3A_122[%gather3A_134] in [0] : vector<16xf32>, vector<16xi32> -> vector<16xf32>
          %broadcast_in_dim3A_136 = arith.constant 1 : i32
          %broadcast_in_dim3A_137 = vector.broadcast %broadcast_in_dim3A_136 : i32 to vector<16xi32>
          %broadcast_in_dim3A_138 = vector.shape_cast %broadcast_in_dim3A_137 : vector<16xi32> to vector<16x1xi32>
          %gather3A_139 = vector.shape_cast %broadcast_in_dim3A_138 : vector<16x1xi32> to vector<16xi32>
          %gather3A_140 = tpu.dynamic_gather %min3A_122[%gather3A_139] in [0] : vector<16xf32>, vector<16xi32> -> vector<16xf32>
          %get3A_141 = arith.index_cast %add3A_105 : i32 to index
          %get3A_142 = arith.constant 16 : index
          %get3A_143 = tpu.vector_load %arg12[%get3A_141, %get3A_142] {strides = array<i32>} : memref<128x128xf32, #tpu.memory_space<vmem>>, vector<16xf32>,
          %get3A_144 = arith.index_cast %add3A_105 : i32 to index
          %get3A_145 = arith.constant 32 : index
          %get3A_146 = tpu.vector_load %arg12[%get3A_144, %get3A_145] {strides = array<i32>} : memref<128x128xf32, #tpu.memory_space<vmem>>, vector<16xf32>,
          %mul3A_147 = arith.constant 48 : i32
          %mul3A_148 = arith.muli %sub3A_102, %mul3A_147 : i32
          %add3A_149 = arith.constant 16 : i32
          %add3A_150 = arith.addi %mul3A_148, %add3A_149 : i32
          %mul3A_151 = arith.mulf %gather3A_135, %get3A_143 : vector<16xf32>
          %swap3A_152 = arith.index_cast %add3A_150 : i32 to index
          %swap3A_153 = tpu.vector_load %arg11[%swap3A_152] {strides = array<i32>} : memref<15360xf32, #tpu.memory_space<vmem>>, vector<16xf32>,
          tpu.vector_store %arg11[%swap3A_152], %mul3A_151 {add = true, strides = array<i32>} : memref<15360xf32, #tpu.memory_space<vmem>>, vector<16xf32>,
          %mul3A_154 = arith.constant 48 : i32
          %mul3A_155 = arith.muli %sub3A_102, %mul3A_154 : i32
          %add3A_156 = arith.constant 32 : i32
          %add3A_157 = arith.addi %mul3A_155, %add3A_156 : i32
          %mul3A_158 = arith.mulf %gather3A_140, %get3A_146 : vector<16xf32>
          %swap3A_159 = arith.index_cast %add3A_157 : i32 to index
          %swap3A_160 = tpu.vector_load %arg11[%swap3A_159] {strides = array<i32>} : memref<15360xf32, #tpu.memory_space<vmem>>, vector<16xf32>,
          tpu.vector_store %arg11[%swap3A_159], %mul3A_158 {add = true, strides = array<i32>} : memref<15360xf32, #tpu.memory_space<vmem>>, vector<16xf32>,
        }
      }
      %scan3A_69 = arith.constant 8 : i32
    }
    %while3A_48 = arith.constant 1 : i32
    scf.for %while3A_51 = %while3A_46 to %while3A_42 step %while3A_48  : i32 {
      %mul3A_52 = arith.constant 128 : i32
      %mul3A_53 = arith.muli %while3A_51, %mul3A_52 : i32
      %dma_start3A = tpu.memref_slice %arg9[%mul3A_53] : memref<16384xi32, #tpu.memory_space<vmem>> -> memref<128xi32, #tpu.memory_space<vmem>>
      %dma_start3A_54 = arith.constant 0 : i32
      %dma_start3A_55 = arith.constant 0 : i32
      %dma_start3A_56 = tpu.memref_slice %arg3[%dma_start3A_54, %dma_start3A_55] : memref<10000x128xf32, #tpu.memory_space<hbm>> -> memref<10000x128xf32, #tpu.memory_space<hbm>>
      tpu.enqueue_indirect_dma source(%dma_start3A_56 : memref<10000x128xf32, #tpu.memory_space<hbm>>) target(%arg12 : memref<128x128xf32, #tpu.memory_space<vmem>>) offsets(%dma_start3A : memref<128xi32, #tpu.memory_space<vmem>>) semaphore(%arg14 : memref<!tpu.dma_semaphore, #tpu.memory_space<semaphore_mem>>)
      %dma_wait3A = tpu.memref_slice %arg9[%mul3A_53] : memref<16384xi32, #tpu.memory_space<vmem>> -> memref<128xi32, #tpu.memory_space<vmem>>
      %dma_wait3A_57 = arith.constant 0 : i32
      %dma_wait3A_58 = arith.constant 0 : i32
      %dma_wait3A_59 = tpu.memref_slice %arg3[%dma_wait3A_57, %dma_wait3A_58] : memref<10000x128xf32, #tpu.memory_space<hbm>> -> memref<10000x128xf32, #tpu.memory_space<hbm>>
      tpu.wait_indirect_dma semaphore(%arg14 : memref<!tpu.dma_semaphore, #tpu.memory_space<semaphore_mem>>) src(%dma_wait3A_59 : memref<10000x128xf32, #tpu.memory_space<hbm>>) dst(%arg12 : memref<128x128xf32, #tpu.memory_space<vmem>>)
      %mul3A_60 = arith.constant 128 : i32
      %mul3A_61 = arith.muli %while3A_51, %mul3A_60 : i32
      %sub3A_62 = arith.subi %squeeze3A, %mul3A_61 : i32
      %min3A = arith.constant 128 : i32
      %min3A_63 = arith.minsi %min3A, %sub3A_62 : i32
      %scan3A_64 = arith.constant 0 : i32
      %scan3A_65 = arith.constant 0 : i32
      %scan3A_66 = arith.constant 8 : i32
      %scan3A_67 = arith.addi %scan3A_65, %scan3A_66 : i32
      %scan3A_68 = arith.constant 1 : i32
      scf.for %scan3A_70 = %scan3A_65 to %scan3A_67 step %scan3A_68  : i32 {
        %mul3A_71 = arith.constant 128 : i32
        %mul3A_72 = arith.muli %while3A_51, %mul3A_71 : i32
        %mul3A_73 = arith.constant 16 : i32
        %mul3A_74 = arith.muli %scan3A_70, %mul3A_73 : i32
        %add3A_75 = arith.addi %mul3A_72, %mul3A_74 : i32
        %get3A_76 = arith.index_cast %add3A_75 : i32 to index
        %get3A_77 = tpu.vector_load %arg8[%get3A_76] {strides = array<i32>} : memref<16384xi32, #tpu.memory_space<vmem>>, vector<16xi32>,
        %mul3A_78 = arith.constant 16 : i32
        %mul3A_79 = arith.muli %scan3A_70, %mul3A_78 : i32
        %sub3A_80 = arith.subi %min3A_63, %mul3A_79 : i32
        %jit3A_81 = arith.constant 0 : i32
        %jit3A_82 = arith.constant 16 : i32
        %max3A = arith.maxsi %jit3A_81, %sub3A_80 : i32
        %min3A_83 = arith.minsi %jit3A_82, %max3A : i32
        %while3A_84 = arith.constant 0 : i32
        %while3A_85 = arith.constant 0 : i32
        %while3A_86 = arith.subi %min3A_83, %while3A_85 : i32
        %while3A_87 = arith.addi %while3A_85, %while3A_86 : i32
        %while3A_88 = arith.constant 1 : i32
        %while3A_89 = arith.divsi %while3A_86, %while3A_88 : i32
        %while3A_90 = arith.muli %while3A_89, %while3A_88 : i32
        %while3A_91 = arith.addi %while3A_85, %while3A_90 : i32
        %while3A_92 = arith.constant 1 : i32
        scf.for %while3A_94 = %while3A_85 to %while3A_91 step %while3A_92  : i32 {
          %eq3A = vector.broadcast %while3A_94 : i32 to vector<16xi32>
          %eq3A_95 = arith.cmpi eq, %iota3A, %eq3A : vector<16xi32>
          %jit3A_96 = arith.constant 0 : i32
          %broadcast_in_dim3A_97 = vector.broadcast %jit3A_96 : i32 to vector<16xi32>
          %select_n3A_98 = arith.select %eq3A_95, %get3A_77, %broadcast_in_dim3A_97 : vector<16xi1>, vector<16xi32>
          %reduce_sum3A = arith.constant true
          %reduce_sum3A_99 = vector.broadcast %reduce_sum3A : i1 to vector<16xi1>
          %reduce_sum3A_100 = tpu.scan <sum>, %select_n3A_98 masked %reduce_sum3A_99 : vector<16xi32>, vector<16xi1> -> vector<16xi32>
          %reduce_sum3A_101 = vector.extract %reduce_sum3A_100[15] : i32 from vector<16xi32>
          %sub3A_102 = arith.subi %reduce_sum3A_101, %mul3A_4 : i32
          %mul3A_103 = arith.constant 16 : i32
          %mul3A_104 = arith.muli %scan3A_70, %mul3A_103 : i32
          %add3A_105 = arith.addi %mul3A_104, %while3A_94 : i32
          %mul3A_106 = arith.constant 16 : i32
          %mul3A_107 = arith.muli %sub3A_102, %mul3A_106 : i32
          %get3A_108 = arith.index_cast %mul3A_107 : i32 to index
          %get3A_109 = tpu.vector_load %arg10[%get3A_108] {strides = array<i32>} : memref<5120xf32, #tpu.memory_space<vmem>>, vector<16xf32>,
          %get3A_110 = arith.index_cast %add3A_105 : i32 to index
          %get3A_111 = arith.constant 0 : index
          %get3A_112 = tpu.vector_load %arg12[%get3A_110, %get3A_111] {strides = array<i32>} : memref<128x128xf32, #tpu.memory_space<vmem>>, vector<16xf32>,
          %mul3A_113 = arith.mulf %get3A_109, %get3A_112 : vector<16xf32>
          %add3A_114 = arith.constant 2 : i32
          %add3A_115 = vector.broadcast %add3A_114 : i32 to vector<16xi32>
          %add3A_116 = arith.addi %iota3A, %add3A_115 : vector<16xi32>
          %and3A_117 = arith.constant 15 : i32
          %and3A_118 = vector.broadcast %and3A_117 : i32 to vector<16xi32>
          %and3A_119 = arith.andi %add3A_116, %and3A_118 : vector<16xi32>
          %broadcast_in_dim3A_120 = vector.shape_cast %and3A_119 : vector<16xi32> to vector<16x1xi32>
          %gather3A = vector.shape_cast %broadcast_in_dim3A_120 : vector<16x1xi32> to vector<16xi32>
          %gather3A_121 = tpu.dynamic_gather %mul3A_113[%gather3A] in [0] : vector<16xf32>, vector<16xi32> -> vector<16xf32>
          %min3A_122 = arith.minimumf %mul3A_113, %gather3A_121 : vector<16xf32>
          %lt3A = arith.constant 2 : i32
          %lt3A_123 = vector.broadcast %lt3A : i32 to vector<16xi32>
          %lt3A_124 = arith.cmpi slt, %iota3A, %lt3A_123 : vector<16xi32>
          %jit3A_125 = arith.constant 0.000000e+00 : f32
          %broadcast_in_dim3A_126 = vector.broadcast %jit3A_125 : f32 to vector<16xf32>
          %select_n3A_127 = arith.select %lt3A_124, %min3A_122, %broadcast_in_dim3A_126 : vector<16xi1>, vector<16xf32>
          %mul3A_128 = arith.constant 48 : i32
          %mul3A_129 = arith.muli %sub3A_102, %mul3A_128 : i32
          %swap3A = arith.index_cast %mul3A_129 : i32 to index
          %swap3A_130 = tpu.vector_load %arg11[%swap3A] {strides = array<i32>} : memref<15360xf32, #tpu.memory_space<vmem>>, vector<16xf32>,
          tpu.vector_store %arg11[%swap3A], %select_n3A_127 {add = true, strides = array<i32>} : memref<15360xf32, #tpu.memory_space<vmem>>, vector<16xf32>,
          %broadcast_in_dim3A_131 = arith.constant 0 : i32
          %broadcast_in_dim3A_132 = vector.broadcast %broadcast_in_dim3A_131 : i32 to vector<16xi32>
          %broadcast_in_dim3A_133 = vector.shape_cast %broadcast_in_dim3A_132 : vector<16xi32> to vector<16x1xi32>
          %gather3A_134 = vector.shape_cast %broadcast_in_dim3A_133 : vector<16x1xi32> to vector<16xi32>
          %gather3A_135 = tpu.dynamic_gather %min3A_122[%gather3A_134] in [0] : vector<16xf32>, vector<16xi32> -> vector<16xf32>
          %broadcast_in_dim3A_136 = arith.constant 1 : i32
          %broadcast_in_dim3A_137 = vector.broadcast %broadcast_in_dim3A_136 : i32 to vector<16xi32>
          %broadcast_in_dim3A_138 = vector.shape_cast %broadcast_in_dim3A_137 : vector<16xi32> to vector<16x1xi32>
          %gather3A_139 = vector.shape_cast %broadcast_in_dim3A_138 : vector<16x1xi32> to vector<16xi32>
          %gather3A_140 = tpu.dynamic_gather %min3A_122[%gather3A_139] in [0] : vector<16xf32>, vector<16xi32> -> vector<16xf32>
          %get3A_141 = arith.index_cast %add3A_105 : i32 to index
          %get3A_142 = arith.constant 16 : index
          %get3A_143 = tpu.vector_load %arg12[%get3A_141, %get3A_142] {strides = array<i32>} : memref<128x128xf32, #tpu.memory_space<vmem>>, vector<16xf32>,
          %get3A_144 = arith.index_cast %add3A_105 : i32 to index
          %get3A_145 = arith.constant 32 : index
          %get3A_146 = tpu.vector_load %arg12[%get3A_144, %get3A_145] {strides = array<i32>} : memref<128x128xf32, #tpu.memory_space<vmem>>, vector<16xf32>,
          %mul3A_147 = arith.constant 48 : i32
          %mul3A_148 = arith.muli %sub3A_102, %mul3A_147 : i32
          %add3A_149 = arith.constant 16 : i32
          %add3A_150 = arith.addi %mul3A_148, %add3A_149 : i32
          %mul3A_151 = arith.mulf %gather3A_135, %get3A_143 : vector<16xf32>
          %swap3A_152 = arith.index_cast %add3A_150 : i32 to index
          %swap3A_153 = tpu.vector_load %arg11[%swap3A_152] {strides = array<i32>} : memref<15360xf32, #tpu.memory_space<vmem>>, vector<16xf32>,
          tpu.vector_store %arg11[%swap3A_152], %mul3A_151 {add = true, strides = array<i32>} : memref<15360xf32, #tpu.memory_space<vmem>>, vector<16xf32>,
          %mul3A_154 = arith.constant 48 : i32
          %mul3A_155 = arith.muli %sub3A_102, %mul3A_154 : i32
          %add3A_156 = arith.constant 32 : i32
          %add3A_157 = arith.addi %mul3A_155, %add3A_156 : i32
          %mul3A_158 = arith.mulf %gather3A_140, %get3A_146 : vector<16xf32>
          %swap3A_159 = arith.index_cast %add3A_157 : i32 to index
          %swap3A_160 = tpu.vector_load %arg11[%swap3A_159] {strides = array<i32>} : memref<15360xf32, #tpu.memory_space<vmem>>, vector<16xf32>,
          tpu.vector_store %arg11[%swap3A_159], %mul3A_158 {add = true, strides = array<i32>} : memref<15360xf32, #tpu.memory_space<vmem>>, vector<16xf32>,
        }
        %while3A_93 = arith.constant 1 : i32
        scf.for %while3A_94 = %while3A_91 to %while3A_87 step %while3A_93  : i32 {
          %eq3A = vector.broadcast %while3A_94 : i32 to vector<16xi32>
          %eq3A_95 = arith.cmpi eq, %iota3A, %eq3A : vector<16xi32>
          %jit3A_96 = arith.constant 0 : i32
          %broadcast_in_dim3A_97 = vector.broadcast %jit3A_96 : i32 to vector<16xi32>
          %select_n3A_98 = arith.select %eq3A_95, %get3A_77, %broadcast_in_dim3A_97 : vector<16xi1>, vector<16xi32>
          %reduce_sum3A = arith.constant true
          %reduce_sum3A_99 = vector.broadcast %reduce_sum3A : i1 to vector<16xi1>
          %reduce_sum3A_100 = tpu.scan <sum>, %select_n3A_98 masked %reduce_sum3A_99 : vector<16xi32>, vector<16xi1> -> vector<16xi32>
          %reduce_sum3A_101 = vector.extract %reduce_sum3A_100[15] : i32 from vector<16xi32>
          %sub3A_102 = arith.subi %reduce_sum3A_101, %mul3A_4 : i32
          %mul3A_103 = arith.constant 16 : i32
          %mul3A_104 = arith.muli %scan3A_70, %mul3A_103 : i32
          %add3A_105 = arith.addi %mul3A_104, %while3A_94 : i32
          %mul3A_106 = arith.constant 16 : i32
          %mul3A_107 = arith.muli %sub3A_102, %mul3A_106 : i32
          %get3A_108 = arith.index_cast %mul3A_107 : i32 to index
          %get3A_109 = tpu.vector_load %arg10[%get3A_108] {strides = array<i32>} : memref<5120xf32, #tpu.memory_space<vmem>>, vector<16xf32>,
          %get3A_110 = arith.index_cast %add3A_105 : i32 to index
          %get3A_111 = arith.constant 0 : index
          %get3A_112 = tpu.vector_load %arg12[%get3A_110, %get3A_111] {strides = array<i32>} : memref<128x128xf32, #tpu.memory_space<vmem>>, vector<16xf32>,
          %mul3A_113 = arith.mulf %get3A_109, %get3A_112 : vector<16xf32>
          %add3A_114 = arith.constant 2 : i32
          %add3A_115 = vector.broadcast %add3A_114 : i32 to vector<16xi32>
          %add3A_116 = arith.addi %iota3A, %add3A_115 : vector<16xi32>
          %and3A_117 = arith.constant 15 : i32
          %and3A_118 = vector.broadcast %and3A_117 : i32 to vector<16xi32>
          %and3A_119 = arith.andi %add3A_116, %and3A_118 : vector<16xi32>
          %broadcast_in_dim3A_120 = vector.shape_cast %and3A_119 : vector<16xi32> to vector<16x1xi32>
          %gather3A = vector.shape_cast %broadcast_in_dim3A_120 : vector<16x1xi32> to vector<16xi32>
          %gather3A_121 = tpu.dynamic_gather %mul3A_113[%gather3A] in [0] : vector<16xf32>, vector<16xi32> -> vector<16xf32>
          %min3A_122 = arith.minimumf %mul3A_113, %gather3A_121 : vector<16xf32>
          %lt3A = arith.constant 2 : i32
          %lt3A_123 = vector.broadcast %lt3A : i32 to vector<16xi32>
          %lt3A_124 = arith.cmpi slt, %iota3A, %lt3A_123 : vector<16xi32>
          %jit3A_125 = arith.constant 0.000000e+00 : f32
          %broadcast_in_dim3A_126 = vector.broadcast %jit3A_125 : f32 to vector<16xf32>
          %select_n3A_127 = arith.select %lt3A_124, %min3A_122, %broadcast_in_dim3A_126 : vector<16xi1>, vector<16xf32>
          %mul3A_128 = arith.constant 48 : i32
          %mul3A_129 = arith.muli %sub3A_102, %mul3A_128 : i32
          %swap3A = arith.index_cast %mul3A_129 : i32 to index
          %swap3A_130 = tpu.vector_load %arg11[%swap3A] {strides = array<i32>} : memref<15360xf32, #tpu.memory_space<vmem>>, vector<16xf32>,
          tpu.vector_store %arg11[%swap3A], %select_n3A_127 {add = true, strides = array<i32>} : memref<15360xf32, #tpu.memory_space<vmem>>, vector<16xf32>,
          %broadcast_in_dim3A_131 = arith.constant 0 : i32
          %broadcast_in_dim3A_132 = vector.broadcast %broadcast_in_dim3A_131 : i32 to vector<16xi32>
          %broadcast_in_dim3A_133 = vector.shape_cast %broadcast_in_dim3A_132 : vector<16xi32> to vector<16x1xi32>
          %gather3A_134 = vector.shape_cast %broadcast_in_dim3A_133 : vector<16x1xi32> to vector<16xi32>
          %gather3A_135 = tpu.dynamic_gather %min3A_122[%gather3A_134] in [0] : vector<16xf32>, vector<16xi32> -> vector<16xf32>
          %broadcast_in_dim3A_136 = arith.constant 1 : i32
          %broadcast_in_dim3A_137 = vector.broadcast %broadcast_in_dim3A_136 : i32 to vector<16xi32>
          %broadcast_in_dim3A_138 = vector.shape_cast %broadcast_in_dim3A_137 : vector<16xi32> to vector<16x1xi32>
          %gather3A_139 = vector.shape_cast %broadcast_in_dim3A_138 : vector<16x1xi32> to vector<16xi32>
          %gather3A_140 = tpu.dynamic_gather %min3A_122[%gather3A_139] in [0] : vector<16xf32>, vector<16xi32> -> vector<16xf32>
          %get3A_141 = arith.index_cast %add3A_105 : i32 to index
          %get3A_142 = arith.constant 16 : index
          %get3A_143 = tpu.vector_load %arg12[%get3A_141, %get3A_142] {strides = array<i32>} : memref<128x128xf32, #tpu.memory_space<vmem>>, vector<16xf32>,
          %get3A_144 = arith.index_cast %add3A_105 : i32 to index
          %get3A_145 = arith.constant 32 : index
          %get3A_146 = tpu.vector_load %arg12[%get3A_144, %get3A_145] {strides = array<i32>} : memref<128x128xf32, #tpu.memory_space<vmem>>, vector<16xf32>,
          %mul3A_147 = arith.constant 48 : i32
          %mul3A_148 = arith.muli %sub3A_102, %mul3A_147 : i32
          %add3A_149 = arith.constant 16 : i32
          %add3A_150 = arith.addi %mul3A_148, %add3A_149 : i32
          %mul3A_151 = arith.mulf %gather3A_135, %get3A_143 : vector<16xf32>
          %swap3A_152 = arith.index_cast %add3A_150 : i32 to index
          %swap3A_153 = tpu.vector_load %arg11[%swap3A_152] {strides = array<i32>} : memref<15360xf32, #tpu.memory_space<vmem>>, vector<16xf32>,
          tpu.vector_store %arg11[%swap3A_152], %mul3A_151 {add = true, strides = array<i32>} : memref<15360xf32, #tpu.memory_space<vmem>>, vector<16xf32>,
          %mul3A_154 = arith.constant 48 : i32
          %mul3A_155 = arith.muli %sub3A_102, %mul3A_154 : i32
          %add3A_156 = arith.constant 32 : i32
          %add3A_157 = arith.addi %mul3A_155, %add3A_156 : i32
          %mul3A_158 = arith.mulf %gather3A_140, %get3A_146 : vector<16xf32>
          %swap3A_159 = arith.index_cast %add3A_157 : i32 to index
          %swap3A_160 = tpu.vector_load %arg11[%swap3A_159] {strides = array<i32>} : memref<15360xf32, #tpu.memory_space<vmem>>, vector<16xf32>,
          tpu.vector_store %arg11[%swap3A_159], %mul3A_158 {add = true, strides = array<i32>} : memref<15360xf32, #tpu.memory_space<vmem>>, vector<16xf32>,
        }
      }
      %scan3A_69 = arith.constant 8 : i32
    }
    %mul3A_49 = arith.constant 48 : i32
    %mul3A_50 = arith.muli %mul3A_4, %mul3A_49 : i32
    "tpu.region"() ({
      %run_scoped3A = tpu.sem_alloc : memref<!tpu.dma_semaphore, #tpu.memory_space<semaphore_mem>>
      %dma_start3A = tpu.memref_slice %arg7[%mul3A_50] : memref<499200xf32, #tpu.memory_space<hbm>> -> memref<15360xf32, #tpu.memory_space<hbm>>
      %dma_start3A_51 = tpu.memref_slice %arg7[%mul3A_50] : memref<499200xf32, #tpu.memory_space<hbm>> -> memref<15360xf32, #tpu.memory_space<hbm>>
      tpu.enqueue_dma source(%arg11 : memref<15360xf32, #tpu.memory_space<vmem>>) target(%dma_start3A_51 : memref<15360xf32, #tpu.memory_space<hbm>>) target_semaphore(%run_scoped3A : memref<!tpu.dma_semaphore, #tpu.memory_space<semaphore_mem>>)
      %dma_wait3A = tpu.memref_slice %arg7[%mul3A_50] : memref<499200xf32, #tpu.memory_space<hbm>> -> memref<15360xf32, #tpu.memory_space<hbm>>
      %dma_wait3A_52 = tpu.memref_slice %arg7[%mul3A_50] : memref<499200xf32, #tpu.memory_space<hbm>> -> memref<15360xf32, #tpu.memory_space<hbm>>
      tpu.wait_dma2 semaphore(%run_scoped3A : memref<!tpu.dma_semaphore, #tpu.memory_space<semaphore_mem>>) src(%arg11 : memref<15360xf32, #tpu.memory_space<vmem>>) dst(%dma_wait3A_52 : memref<15360xf32, #tpu.memory_space<hbm>>)
      tpu.yield
    }) : () -> ()
    return
  }
}

module attributes {stable_mosaic.version = 14 : i64} {
  func.func @_kp_body(%arg0: i32, %arg1: memref<40x10000xi32, #tpu.memory_space<vmem>>, %arg2: memref<1x2x10000xi32, #tpu.memory_space<vmem>>) attributes {dimension_semantics = [#tpu.dimension_semantics<arbitrary>], iteration_bounds = array<i64: 250>, scalar_prefetch = 0 : i64, scratch_operands = 0 : i64, tpu.core_type = #tpu.core_type<tc>, window_params = [{transform_indices = @transform_0, window_bounds = array<i64: 40, 10000>}, {transform_indices = @transform_1, window_bounds = array<i64: 1, 2, 10000>}]} {
    %get3A = arith.constant 0 : index
    %get3A_0 = arith.constant 0 : index
    %get3A_1 = vector.load %arg1[%get3A, %get3A_0] : memref<40x10000xi32, #tpu.memory_space<vmem>>, vector<40x10000xi32>
    %get3A_2 = arith.constant dense<0> : vector<40x10000xi32>
    %get3A_3 = arith.cmpi ne, %get3A_1, %get3A_2 : vector<40x10000xi32>
    %convert_element_type3A = arith.extui %get3A_3 : vector<40x10000xi1> to vector<40x10000xi32>
    %reshape3A = vector.shape_cast %convert_element_type3A : vector<40x10000xi32> to vector<2x20x10000xi32>
    %iota3A = tpu.iota {dimensions = array<i32: 1>} : vector<2x20x10000xi32>
    %shift_left3A = arith.shli %reshape3A, %iota3A : vector<2x20x10000xi32>
    %reduce_sum3A = arith.constant dense<0> : vector<2x10000xi32>
    %reduce_sum3A_4 = vector.multi_reduction <add>, %shift_left3A, %reduce_sum3A [1] : vector<2x20x10000xi32> to vector<2x10000xi32>
    %reshape3A_5 = vector.shape_cast %reduce_sum3A_4 : vector<2x10000xi32> to vector<1x2x10000xi32>
    %swap3A = arith.constant 0 : index
    %swap3A_6 = arith.constant 0 : index
    %swap3A_7 = arith.constant 0 : index
    %swap3A_8 = vector.load %arg2[%swap3A, %swap3A_6, %swap3A_7] : memref<1x2x10000xi32, #tpu.memory_space<vmem>>, vector<1x2x10000xi32>
    tpu.vector_store %arg2[%swap3A, %swap3A_6, %swap3A_7], %reshape3A_5 {strides = array<i32>} : memref<1x2x10000xi32, #tpu.memory_space<vmem>>, vector<1x2x10000xi32>,
    return
  }
  func.func @transform_0(%arg0: i32) -> (i32, i32) {
    %c0_i32 = arith.constant 0 : i32
    %c0_i32_0 = arith.constant 0 : i32
    return %arg0, %c0_i32 : i32, i32
  }
  func.func @transform_1(%arg0: i32) -> (i32, i32, i32) {
    %c0_i32 = arith.constant 0 : i32
    %c0_i32_0 = arith.constant 0 : i32
    %c0_i32_1 = arith.constant 0 : i32
    return %arg0, %c0_i32, %c0_i32_0 : i32, i32, i32
  }
}

module attributes {stable_mosaic.version = 14 : i64} {
  func.func @_k1_body(%arg0: i32, %arg1: memref<400x128xf32, #tpu.memory_space<vmem>>, %arg2: memref<128x64xf32, #tpu.memory_space<vmem>>, %arg3: memref<64x8xf32, #tpu.memory_space<vmem>>, %arg4: memref<64x8xf32, #tpu.memory_space<vmem>>, %arg5: memref<400x16xf32, #tpu.memory_space<vmem>>, %arg6: memref<400x128xf32, #tpu.memory_space<vmem>>) attributes {dimension_semantics = [#tpu.dimension_semantics<arbitrary>], iteration_bounds = array<i64: 25>, scalar_prefetch = 0 : i64, scratch_operands = 0 : i64, tpu.core_type = #tpu.core_type<tc>, window_params = [{transform_indices = @transform_0, window_bounds = array<i64: 400, 128>}, {pipeline_mode = #tpu.pipeline_mode<synchronous>, transform_indices = @transform_1, window_bounds = array<i64: 128, 64>}, {pipeline_mode = #tpu.pipeline_mode<synchronous>, transform_indices = @transform_2, window_bounds = array<i64: 64, 8>}, {pipeline_mode = #tpu.pipeline_mode<synchronous>, transform_indices = @transform_3, window_bounds = array<i64: 64, 8>}, {transform_indices = @transform_4, window_bounds = array<i64: 400, 16>}, {transform_indices = @transform_5, window_bounds = array<i64: 400, 128>}]} {
    %get3A = arith.constant 0 : index
    %get3A_0 = arith.constant 0 : index
    %get3A_1 = vector.load %arg1[%get3A, %get3A_0] : memref<400x128xf32, #tpu.memory_space<vmem>>, vector<400x128xf32>
    %get3A_2 = arith.constant 0 : index
    %get3A_3 = arith.constant 0 : index
    %get3A_4 = vector.load %arg2[%get3A_2, %get3A_3] : memref<128x64xf32, #tpu.memory_space<vmem>>, vector<128x64xf32>
    %dot_general3A = arith.constant dense<0.000000e+00> : vector<400x64xf32>
    %dot_general3A_5 = tpu.matmul %get3A_1, %get3A_4, %dot_general3A {dimension_numbers = #tpu.dot_dimension_numbers<[1], [0], [0], [1], [0, 0, 1, 1], [], []>, transpose_lhs_hint = false} : vector<400x128xf32>, vector<128x64xf32>, vector<400x64xf32> -> vector<400x64xf32>
    %get3A_6 = arith.constant 0 : index
    %get3A_7 = arith.constant 0 : index
    %get3A_8 = vector.load %arg3[%get3A_6, %get3A_7] : memref<64x8xf32, #tpu.memory_space<vmem>>, vector<64x8xf32>
    %dot_general3A_9 = arith.constant dense<0.000000e+00> : vector<400x8xf32>
    %dot_general3A_10 = tpu.matmul %dot_general3A_5, %get3A_8, %dot_general3A_9 {dimension_numbers = #tpu.dot_dimension_numbers<[1], [0], [0], [1], [0, 0, 1, 1], [], []>, transpose_lhs_hint = false} : vector<400x64xf32>, vector<64x8xf32>, vector<400x8xf32> -> vector<400x8xf32>
    %get3A_11 = arith.constant 0 : index
    %get3A_12 = arith.constant 0 : index
    %get3A_13 = vector.load %arg4[%get3A_11, %get3A_12] : memref<64x8xf32, #tpu.memory_space<vmem>>, vector<64x8xf32>
    %dot_general3A_14 = arith.constant dense<0.000000e+00> : vector<400x8xf32>
    %dot_general3A_15 = tpu.matmul %dot_general3A_5, %get3A_13, %dot_general3A_14 {dimension_numbers = #tpu.dot_dimension_numbers<[1], [0], [0], [1], [0, 0, 1, 1], [], []>, transpose_lhs_hint = false} : vector<400x64xf32>, vector<64x8xf32>, vector<400x8xf32> -> vector<400x8xf32>
    %neg3A = arith.constant 0.000000e+00 : f32
    %neg3A_16 = vector.broadcast %neg3A : f32 to vector<400x8xf32>
    %neg3A_17 = arith.subf %neg3A_16, %dot_general3A_10 : vector<400x8xf32>
    %exp3A = math.exp %neg3A_17 : vector<400x8xf32>
    %mul3A = arith.constant -2.000000e-01 : f32
    %mul3A_18 = vector.broadcast %mul3A : f32 to vector<400x8xf32>
    %mul3A_19 = arith.mulf %mul3A_18, %dot_general3A_10 : vector<400x8xf32>
    %exp3A_20 = math.exp %mul3A_19 : vector<400x8xf32>
    %concatenate3A = tpu.concatenate %exp3A, %exp3A_20 in 1 : vector<400x8xf32>, vector<400x8xf32> -> vector<400x16xf32>
    %swap3A = arith.constant 0 : index
    %swap3A_21 = arith.constant 0 : index
    %swap3A_22 = vector.load %arg5[%swap3A, %swap3A_21] : memref<400x16xf32, #tpu.memory_space<vmem>>, vector<400x16xf32>
    tpu.vector_store %arg5[%swap3A, %swap3A_21], %concatenate3A {strides = array<i32>} : memref<400x16xf32, #tpu.memory_space<vmem>>, vector<400x16xf32>,
    %broadcast_in_dim3A = arith.constant 0.000000e+00 : f32
    %broadcast_in_dim3A_23 = vector.broadcast %broadcast_in_dim3A : f32 to vector<400x48xf32>
    %neg3A_24 = arith.constant 0.000000e+00 : f32
    %neg3A_25 = vector.broadcast %neg3A_24 : f32 to vector<400x8xf32>
    %neg3A_26 = arith.subf %neg3A_25, %dot_general3A_15 : vector<400x8xf32>
    %exp3A_27 = math.exp %neg3A_26 : vector<400x8xf32>
    %mul3A_28 = arith.constant -2.000000e-01 : f32
    %mul3A_29 = vector.broadcast %mul3A_28 : f32 to vector<400x8xf32>
    %mul3A_30 = arith.mulf %mul3A_29, %dot_general3A_15 : vector<400x8xf32>
    %exp3A_31 = math.exp %mul3A_30 : vector<400x8xf32>
    %concatenate3A_32 = tpu.concatenate %exp3A_27, %exp3A_31, %dot_general3A_5, %broadcast_in_dim3A_23 in 1 : vector<400x8xf32>, vector<400x8xf32>, vector<400x64xf32>, vector<400x48xf32> -> vector<400x128xf32>
    %swap3A_33 = arith.constant 0 : index
    %swap3A_34 = arith.constant 0 : index
    %swap3A_35 = vector.load %arg6[%swap3A_33, %swap3A_34] : memref<400x128xf32, #tpu.memory_space<vmem>>, vector<400x128xf32>
    tpu.vector_store %arg6[%swap3A_33, %swap3A_34], %concatenate3A_32 {strides = array<i32>} : memref<400x128xf32, #tpu.memory_space<vmem>>, vector<400x128xf32>,
    return
  }
  func.func @transform_0(%arg0: i32) -> (i32, i32) {
    %c0_i32 = arith.constant 0 : i32
    %c0_i32_0 = arith.constant 0 : i32
    return %arg0, %c0_i32 : i32, i32
  }
  func.func @transform_1(%arg0: i32) -> (i32, i32) {
    %c0_i32 = arith.constant 0 : i32
    %c0_i32_0 = arith.constant 0 : i32
    %c0_i32_1 = arith.constant 0 : i32
    return %c0_i32, %c0_i32_0 : i32, i32
  }
  func.func @transform_2(%arg0: i32) -> (i32, i32) {
    %c0_i32 = arith.constant 0 : i32
    %c0_i32_0 = arith.constant 0 : i32
    %c0_i32_1 = arith.constant 0 : i32
    return %c0_i32, %c0_i32_0 : i32, i32
  }
  func.func @transform_3(%arg0: i32) -> (i32, i32) {
    %c0_i32 = arith.constant 0 : i32
    %c0_i32_0 = arith.constant 0 : i32
    %c0_i32_1 = arith.constant 0 : i32
    return %c0_i32, %c0_i32_0 : i32, i32
  }
  func.func @transform_4(%arg0: i32) -> (i32, i32) {
    %c0_i32 = arith.constant 0 : i32
    %c0_i32_0 = arith.constant 0 : i32
    return %arg0, %c0_i32 : i32, i32
  }
  func.func @transform_5(%arg0: i32) -> (i32, i32) {
    %c0_i32 = arith.constant 0 : i32
    %c0_i32_0 = arith.constant 0 : i32
    return %arg0, %c0_i32 : i32, i32
  }
}

module attributes {stable_mosaic.version = 14 : i64} {
  func.func @_att_body(%arg0: i32, %arg1: memref<80x10000xi32, #tpu.memory_space<vmem>>, %arg2: memref<80x8xf32, #tpu.memory_space<vmem>>, %arg3: memref<80x8xf32, #tpu.memory_space<vmem>>, %arg4: memref<8x10000xf32, #tpu.memory_space<vmem>>, %arg5: memref<8x10000xf32, #tpu.memory_space<vmem>>, %arg6: memref<10000x72xf32, #tpu.memory_space<vmem>>, %arg7: memref<80x72xf32, #tpu.memory_space<vmem>>) attributes {dimension_semantics = [#tpu.dimension_semantics<arbitrary>], iteration_bounds = array<i64: 125>, scalar_prefetch = 0 : i64, scratch_operands = 0 : i64, tpu.core_type = #tpu.core_type<tc>, window_params = [{transform_indices = @transform_0, window_bounds = array<i64: 80, 10000>}, {transform_indices = @transform_1, window_bounds = array<i64: 80, 8>}, {transform_indices = @transform_2, window_bounds = array<i64: 80, 8>}, {pipeline_mode = #tpu.pipeline_mode<synchronous>, transform_indices = @transform_3, window_bounds = array<i64: 8, 10000>}, {pipeline_mode = #tpu.pipeline_mode<synchronous>, transform_indices = @transform_4, window_bounds = array<i64: 8, 10000>}, {pipeline_mode = #tpu.pipeline_mode<synchronous>, transform_indices = @transform_5, window_bounds = array<i64: 10000, 72>}, {transform_indices = @transform_6, window_bounds = array<i64: 80, 72>}]} {
    %get3A = arith.constant 0 : index
    %get3A_0 = arith.constant 0 : index
    %get3A_1 = vector.load %arg1[%get3A, %get3A_0] : memref<80x10000xi32, #tpu.memory_space<vmem>>, vector<80x10000xi32>
    %get3A_2 = arith.constant dense<0> : vector<80x10000xi32>
    %get3A_3 = arith.cmpi ne, %get3A_1, %get3A_2 : vector<80x10000xi32>
    %convert_element_type3A = arith.extui %get3A_3 : vector<80x10000xi1> to vector<80x10000xi32>
    %convert_element_type3A_4 = arith.sitofp %convert_element_type3A : vector<80x10000xi32> to vector<80x10000xf32>
    %get3A_5 = arith.constant 0 : index
    %get3A_6 = arith.constant 0 : index
    %get3A_7 = vector.load %arg2[%get3A_5, %get3A_6] : memref<80x8xf32, #tpu.memory_space<vmem>>, vector<80x1xf32>
    %get3A_8 = arith.constant 0 : index
    %get3A_9 = arith.constant 0 : index
    %get3A_10 = vector.load %arg4[%get3A_8, %get3A_9] : memref<8x10000xf32, #tpu.memory_space<vmem>>, vector<1x10000xf32>
    %mul3A = vector.broadcast %get3A_7 : vector<80x1xf32> to vector<80x10000xf32>
    %mul3A_11 = vector.broadcast %get3A_10 : vector<1x10000xf32> to vector<80x10000xf32>
    %mul3A_12 = arith.mulf %mul3A, %mul3A_11 : vector<80x10000xf32>
    %get3A_13 = arith.constant 0 : index
    %get3A_14 = arith.constant 0 : index
    %get3A_15 = vector.load %arg3[%get3A_13, %get3A_14] : memref<80x8xf32, #tpu.memory_space<vmem>>, vector<80x1xf32>
    %get3A_16 = arith.constant 0 : index
    %get3A_17 = arith.constant 0 : index
    %get3A_18 = vector.load %arg5[%get3A_16, %get3A_17] : memref<8x10000xf32, #tpu.memory_space<vmem>>, vector<1x10000xf32>
    %mul3A_19 = vector.broadcast %get3A_15 : vector<80x1xf32> to vector<80x10000xf32>
    %mul3A_20 = vector.broadcast %get3A_18 : vector<1x10000xf32> to vector<80x10000xf32>
    %mul3A_21 = arith.mulf %mul3A_19, %mul3A_20 : vector<80x10000xf32>
    %min3A = arith.minimumf %mul3A_12, %mul3A_21 : vector<80x10000xf32>
    %mul3A_22 = arith.mulf %min3A, %convert_element_type3A_4 : vector<80x10000xf32>
    %get3A_23 = arith.constant 0 : index
    %get3A_24 = arith.constant 0 : index
    %get3A_25 = vector.load %arg6[%get3A_23, %get3A_24] : memref<10000x72xf32, #tpu.memory_space<vmem>>, vector<10000x9xf32>
    %dot_general3A = arith.constant dense<0.000000e+00> : vector<80x9xf32>
    %dot_general3A_26 = tpu.matmul %mul3A_22, %get3A_25, %dot_general3A {dimension_numbers = #tpu.dot_dimension_numbers<[1], [0], [0], [1], [0, 0, 1, 1], [], []>, transpose_lhs_hint = false} : vector<80x10000xf32>, vector<10000x9xf32>, vector<80x9xf32> -> vector<80x9xf32>
    %get3A_27 = arith.constant 0 : index
    %get3A_28 = arith.constant 1 : index
    %get3A_29 = vector.load %arg2[%get3A_27, %get3A_28] : memref<80x8xf32, #tpu.memory_space<vmem>>, vector<80x1xf32>
    %get3A_30 = arith.constant 1 : index
    %get3A_31 = arith.constant 0 : index
    %get3A_32 = vector.load %arg4[%get3A_30, %get3A_31] : memref<8x10000xf32, #tpu.memory_space<vmem>>, vector<1x10000xf32>
    %mul3A_33 = vector.broadcast %get3A_29 : vector<80x1xf32> to vector<80x10000xf32>
    %mul3A_34 = vector.broadcast %get3A_32 : vector<1x10000xf32> to vector<80x10000xf32>
    %mul3A_35 = arith.mulf %mul3A_33, %mul3A_34 : vector<80x10000xf32>
    %get3A_36 = arith.constant 0 : index
    %get3A_37 = arith.constant 1 : index
    %get3A_38 = vector.load %arg3[%get3A_36, %get3A_37] : memref<80x8xf32, #tpu.memory_space<vmem>>, vector<80x1xf32>
    %get3A_39 = arith.constant 1 : index
    %get3A_40 = arith.constant 0 : index
    %get3A_41 = vector.load %arg5[%get3A_39, %get3A_40] : memref<8x10000xf32, #tpu.memory_space<vmem>>, vector<1x10000xf32>
    %mul3A_42 = vector.broadcast %get3A_38 : vector<80x1xf32> to vector<80x10000xf32>
    %mul3A_43 = vector.broadcast %get3A_41 : vector<1x10000xf32> to vector<80x10000xf32>
    %mul3A_44 = arith.mulf %mul3A_42, %mul3A_43 : vector<80x10000xf32>
    %min3A_45 = arith.minimumf %mul3A_35, %mul3A_44 : vector<80x10000xf32>
    %mul3A_46 = arith.mulf %min3A_45, %convert_element_type3A_4 : vector<80x10000xf32>
    %get3A_47 = arith.constant 0 : index
    %get3A_48 = arith.constant 9 : index
    %get3A_49 = vector.load %arg6[%get3A_47, %get3A_48] : memref<10000x72xf32, #tpu.memory_space<vmem>>, vector<10000x9xf32>
    %dot_general3A_50 = arith.constant dense<0.000000e+00> : vector<80x9xf32>
    %dot_general3A_51 = tpu.matmul %mul3A_46, %get3A_49, %dot_general3A_50 {dimension_numbers = #tpu.dot_dimension_numbers<[1], [0], [0], [1], [0, 0, 1, 1], [], []>, transpose_lhs_hint = false} : vector<80x10000xf32>, vector<10000x9xf32>, vector<80x9xf32> -> vector<80x9xf32>
    %get3A_52 = arith.constant 0 : index
    %get3A_53 = arith.constant 2 : index
    %get3A_54 = vector.load %arg2[%get3A_52, %get3A_53] : memref<80x8xf32, #tpu.memory_space<vmem>>, vector<80x1xf32>
    %get3A_55 = arith.constant 2 : index
    %get3A_56 = arith.constant 0 : index
    %get3A_57 = vector.load %arg4[%get3A_55, %get3A_56] : memref<8x10000xf32, #tpu.memory_space<vmem>>, vector<1x10000xf32>
    %mul3A_58 = vector.broadcast %get3A_54 : vector<80x1xf32> to vector<80x10000xf32>
    %mul3A_59 = vector.broadcast %get3A_57 : vector<1x10000xf32> to vector<80x10000xf32>
    %mul3A_60 = arith.mulf %mul3A_58, %mul3A_59 : vector<80x10000xf32>
    %get3A_61 = arith.constant 0 : index
    %get3A_62 = arith.constant 2 : index
    %get3A_63 = vector.load %arg3[%get3A_61, %get3A_62] : memref<80x8xf32, #tpu.memory_space<vmem>>, vector<80x1xf32>
    %get3A_64 = arith.constant 2 : index
    %get3A_65 = arith.constant 0 : index
    %get3A_66 = vector.load %arg5[%get3A_64, %get3A_65] : memref<8x10000xf32, #tpu.memory_space<vmem>>, vector<1x10000xf32>
    %mul3A_67 = vector.broadcast %get3A_63 : vector<80x1xf32> to vector<80x10000xf32>
    %mul3A_68 = vector.broadcast %get3A_66 : vector<1x10000xf32> to vector<80x10000xf32>
    %mul3A_69 = arith.mulf %mul3A_67, %mul3A_68 : vector<80x10000xf32>
    %min3A_70 = arith.minimumf %mul3A_60, %mul3A_69 : vector<80x10000xf32>
    %mul3A_71 = arith.mulf %min3A_70, %convert_element_type3A_4 : vector<80x10000xf32>
    %get3A_72 = arith.constant 0 : index
    %get3A_73 = arith.constant 18 : index
    %get3A_74 = vector.load %arg6[%get3A_72, %get3A_73] : memref<10000x72xf32, #tpu.memory_space<vmem>>, vector<10000x9xf32>
    %dot_general3A_75 = arith.constant dense<0.000000e+00> : vector<80x9xf32>
    %dot_general3A_76 = tpu.matmul %mul3A_71, %get3A_74, %dot_general3A_75 {dimension_numbers = #tpu.dot_dimension_numbers<[1], [0], [0], [1], [0, 0, 1, 1], [], []>, transpose_lhs_hint = false} : vector<80x10000xf32>, vector<10000x9xf32>, vector<80x9xf32> -> vector<80x9xf32>
    %get3A_77 = arith.constant 0 : index
    %get3A_78 = arith.constant 3 : index
    %get3A_79 = vector.load %arg2[%get3A_77, %get3A_78] : memref<80x8xf32, #tpu.memory_space<vmem>>, vector<80x1xf32>
    %get3A_80 = arith.constant 3 : index
    %get3A_81 = arith.constant 0 : index
    %get3A_82 = vector.load %arg4[%get3A_80, %get3A_81] : memref<8x10000xf32, #tpu.memory_space<vmem>>, vector<1x10000xf32>
    %mul3A_83 = vector.broadcast %get3A_79 : vector<80x1xf32> to vector<80x10000xf32>
    %mul3A_84 = vector.broadcast %get3A_82 : vector<1x10000xf32> to vector<80x10000xf32>
    %mul3A_85 = arith.mulf %mul3A_83, %mul3A_84 : vector<80x10000xf32>
    %get3A_86 = arith.constant 0 : index
    %get3A_87 = arith.constant 3 : index
    %get3A_88 = vector.load %arg3[%get3A_86, %get3A_87] : memref<80x8xf32, #tpu.memory_space<vmem>>, vector<80x1xf32>
    %get3A_89 = arith.constant 3 : index
    %get3A_90 = arith.constant 0 : index
    %get3A_91 = vector.load %arg5[%get3A_89, %get3A_90] : memref<8x10000xf32, #tpu.memory_space<vmem>>, vector<1x10000xf32>
    %mul3A_92 = vector.broadcast %get3A_88 : vector<80x1xf32> to vector<80x10000xf32>
    %mul3A_93 = vector.broadcast %get3A_91 : vector<1x10000xf32> to vector<80x10000xf32>
    %mul3A_94 = arith.mulf %mul3A_92, %mul3A_93 : vector<80x10000xf32>
    %min3A_95 = arith.minimumf %mul3A_85, %mul3A_94 : vector<80x10000xf32>
    %mul3A_96 = arith.mulf %min3A_95, %convert_element_type3A_4 : vector<80x10000xf32>
    %get3A_97 = arith.constant 0 : index
    %get3A_98 = arith.constant 27 : index
    %get3A_99 = vector.load %arg6[%get3A_97, %get3A_98] : memref<10000x72xf32, #tpu.memory_space<vmem>>, vector<10000x9xf32>
    %dot_general3A_100 = arith.constant dense<0.000000e+00> : vector<80x9xf32>
    %dot_general3A_101 = tpu.matmul %mul3A_96, %get3A_99, %dot_general3A_100 {dimension_numbers = #tpu.dot_dimension_numbers<[1], [0], [0], [1], [0, 0, 1, 1], [], []>, transpose_lhs_hint = false} : vector<80x10000xf32>, vector<10000x9xf32>, vector<80x9xf32> -> vector<80x9xf32>
    %get3A_102 = arith.constant 0 : index
    %get3A_103 = arith.constant 4 : index
    %get3A_104 = vector.load %arg2[%get3A_102, %get3A_103] : memref<80x8xf32, #tpu.memory_space<vmem>>, vector<80x1xf32>
    %get3A_105 = arith.constant 4 : index
    %get3A_106 = arith.constant 0 : index
    %get3A_107 = vector.load %arg4[%get3A_105, %get3A_106] : memref<8x10000xf32, #tpu.memory_space<vmem>>, vector<1x10000xf32>
    %mul3A_108 = vector.broadcast %get3A_104 : vector<80x1xf32> to vector<80x10000xf32>
    %mul3A_109 = vector.broadcast %get3A_107 : vector<1x10000xf32> to vector<80x10000xf32>
    %mul3A_110 = arith.mulf %mul3A_108, %mul3A_109 : vector<80x10000xf32>
    %get3A_111 = arith.constant 0 : index
    %get3A_112 = arith.constant 4 : index
    %get3A_113 = vector.load %arg3[%get3A_111, %get3A_112] : memref<80x8xf32, #tpu.memory_space<vmem>>, vector<80x1xf32>
    %get3A_114 = arith.constant 4 : index
    %get3A_115 = arith.constant 0 : index
    %get3A_116 = vector.load %arg5[%get3A_114, %get3A_115] : memref<8x10000xf32, #tpu.memory_space<vmem>>, vector<1x10000xf32>
    %mul3A_117 = vector.broadcast %get3A_113 : vector<80x1xf32> to vector<80x10000xf32>
    %mul3A_118 = vector.broadcast %get3A_116 : vector<1x10000xf32> to vector<80x10000xf32>
    %mul3A_119 = arith.mulf %mul3A_117, %mul3A_118 : vector<80x10000xf32>
    %min3A_120 = arith.minimumf %mul3A_110, %mul3A_119 : vector<80x10000xf32>
    %mul3A_121 = arith.mulf %min3A_120, %convert_element_type3A_4 : vector<80x10000xf32>
    %get3A_122 = arith.constant 0 : index
    %get3A_123 = arith.constant 36 : index
    %get3A_124 = vector.load %arg6[%get3A_122, %get3A_123] : memref<10000x72xf32, #tpu.memory_space<vmem>>, vector<10000x9xf32>
    %dot_general3A_125 = arith.constant dense<0.000000e+00> : vector<80x9xf32>
    %dot_general3A_126 = tpu.matmul %mul3A_121, %get3A_124, %dot_general3A_125 {dimension_numbers = #tpu.dot_dimension_numbers<[1], [0], [0], [1], [0, 0, 1, 1], [], []>, transpose_lhs_hint = false} : vector<80x10000xf32>, vector<10000x9xf32>, vector<80x9xf32> -> vector<80x9xf32>
    %get3A_127 = arith.constant 0 : index
    %get3A_128 = arith.constant 5 : index
    %get3A_129 = vector.load %arg2[%get3A_127, %get3A_128] : memref<80x8xf32, #tpu.memory_space<vmem>>, vector<80x1xf32>
    %get3A_130 = arith.constant 5 : index
    %get3A_131 = arith.constant 0 : index
    %get3A_132 = vector.load %arg4[%get3A_130, %get3A_131] : memref<8x10000xf32, #tpu.memory_space<vmem>>, vector<1x10000xf32>
    %mul3A_133 = vector.broadcast %get3A_129 : vector<80x1xf32> to vector<80x10000xf32>
    %mul3A_134 = vector.broadcast %get3A_132 : vector<1x10000xf32> to vector<80x10000xf32>
    %mul3A_135 = arith.mulf %mul3A_133, %mul3A_134 : vector<80x10000xf32>
    %get3A_136 = arith.constant 0 : index
    %get3A_137 = arith.constant 5 : index
    %get3A_138 = vector.load %arg3[%get3A_136, %get3A_137] : memref<80x8xf32, #tpu.memory_space<vmem>>, vector<80x1xf32>
    %get3A_139 = arith.constant 5 : index
    %get3A_140 = arith.constant 0 : index
    %get3A_141 = vector.load %arg5[%get3A_139, %get3A_140] : memref<8x10000xf32, #tpu.memory_space<vmem>>, vector<1x10000xf32>
    %mul3A_142 = vector.broadcast %get3A_138 : vector<80x1xf32> to vector<80x10000xf32>
    %mul3A_143 = vector.broadcast %get3A_141 : vector<1x10000xf32> to vector<80x10000xf32>
    %mul3A_144 = arith.mulf %mul3A_142, %mul3A_143 : vector<80x10000xf32>
    %min3A_145 = arith.minimumf %mul3A_135, %mul3A_144 : vector<80x10000xf32>
    %mul3A_146 = arith.mulf %min3A_145, %convert_element_type3A_4 : vector<80x10000xf32>
    %get3A_147 = arith.constant 0 : index
    %get3A_148 = arith.constant 45 : index
    %get3A_149 = vector.load %arg6[%get3A_147, %get3A_148] : memref<10000x72xf32, #tpu.memory_space<vmem>>, vector<10000x9xf32>
    %dot_general3A_150 = arith.constant dense<0.000000e+00> : vector<80x9xf32>
    %dot_general3A_151 = tpu.matmul %mul3A_146, %get3A_149, %dot_general3A_150 {dimension_numbers = #tpu.dot_dimension_numbers<[1], [0], [0], [1], [0, 0, 1, 1], [], []>, transpose_lhs_hint = false} : vector<80x10000xf32>, vector<10000x9xf32>, vector<80x9xf32> -> vector<80x9xf32>
    %get3A_152 = arith.constant 0 : index
    %get3A_153 = arith.constant 6 : index
    %get3A_154 = vector.load %arg2[%get3A_152, %get3A_153] : memref<80x8xf32, #tpu.memory_space<vmem>>, vector<80x1xf32>
    %get3A_155 = arith.constant 6 : index
    %get3A_156 = arith.constant 0 : index
    %get3A_157 = vector.load %arg4[%get3A_155, %get3A_156] : memref<8x10000xf32, #tpu.memory_space<vmem>>, vector<1x10000xf32>
    %mul3A_158 = vector.broadcast %get3A_154 : vector<80x1xf32> to vector<80x10000xf32>
    %mul3A_159 = vector.broadcast %get3A_157 : vector<1x10000xf32> to vector<80x10000xf32>
    %mul3A_160 = arith.mulf %mul3A_158, %mul3A_159 : vector<80x10000xf32>
    %get3A_161 = arith.constant 0 : index
    %get3A_162 = arith.constant 6 : index
    %get3A_163 = vector.load %arg3[%get3A_161, %get3A_162] : memref<80x8xf32, #tpu.memory_space<vmem>>, vector<80x1xf32>
    %get3A_164 = arith.constant 6 : index
    %get3A_165 = arith.constant 0 : index
    %get3A_166 = vector.load %arg5[%get3A_164, %get3A_165] : memref<8x10000xf32, #tpu.memory_space<vmem>>, vector<1x10000xf32>
    %mul3A_167 = vector.broadcast %get3A_163 : vector<80x1xf32> to vector<80x10000xf32>
    %mul3A_168 = vector.broadcast %get3A_166 : vector<1x10000xf32> to vector<80x10000xf32>
    %mul3A_169 = arith.mulf %mul3A_167, %mul3A_168 : vector<80x10000xf32>
    %min3A_170 = arith.minimumf %mul3A_160, %mul3A_169 : vector<80x10000xf32>
    %mul3A_171 = arith.mulf %min3A_170, %convert_element_type3A_4 : vector<80x10000xf32>
    %get3A_172 = arith.constant 0 : index
    %get3A_173 = arith.constant 54 : index
    %get3A_174 = vector.load %arg6[%get3A_172, %get3A_173] : memref<10000x72xf32, #tpu.memory_space<vmem>>, vector<10000x9xf32>
    %dot_general3A_175 = arith.constant dense<0.000000e+00> : vector<80x9xf32>
    %dot_general3A_176 = tpu.matmul %mul3A_171, %get3A_174, %dot_general3A_175 {dimension_numbers = #tpu.dot_dimension_numbers<[1], [0], [0], [1], [0, 0, 1, 1], [], []>, transpose_lhs_hint = false} : vector<80x10000xf32>, vector<10000x9xf32>, vector<80x9xf32> -> vector<80x9xf32>
    %get3A_177 = arith.constant 0 : index
    %get3A_178 = arith.constant 7 : index
    %get3A_179 = vector.load %arg2[%get3A_177, %get3A_178] : memref<80x8xf32, #tpu.memory_space<vmem>>, vector<80x1xf32>
    %get3A_180 = arith.constant 7 : index
    %get3A_181 = arith.constant 0 : index
    %get3A_182 = vector.load %arg4[%get3A_180, %get3A_181] : memref<8x10000xf32, #tpu.memory_space<vmem>>, vector<1x10000xf32>
    %mul3A_183 = vector.broadcast %get3A_179 : vector<80x1xf32> to vector<80x10000xf32>
    %mul3A_184 = vector.broadcast %get3A_182 : vector<1x10000xf32> to vector<80x10000xf32>
    %mul3A_185 = arith.mulf %mul3A_183, %mul3A_184 : vector<80x10000xf32>
    %get3A_186 = arith.constant 0 : index
    %get3A_187 = arith.constant 7 : index
    %get3A_188 = vector.load %arg3[%get3A_186, %get3A_187] : memref<80x8xf32, #tpu.memory_space<vmem>>, vector<80x1xf32>
    %get3A_189 = arith.constant 7 : index
    %get3A_190 = arith.constant 0 : index
    %get3A_191 = vector.load %arg5[%get3A_189, %get3A_190] : memref<8x10000xf32, #tpu.memory_space<vmem>>, vector<1x10000xf32>
    %mul3A_192 = vector.broadcast %get3A_188 : vector<80x1xf32> to vector<80x10000xf32>
    %mul3A_193 = vector.broadcast %get3A_191 : vector<1x10000xf32> to vector<80x10000xf32>
    %mul3A_194 = arith.mulf %mul3A_192, %mul3A_193 : vector<80x10000xf32>
    %min3A_195 = arith.minimumf %mul3A_185, %mul3A_194 : vector<80x10000xf32>
    %mul3A_196 = arith.mulf %min3A_195, %convert_element_type3A_4 : vector<80x10000xf32>
    %get3A_197 = arith.constant 0 : index
    %get3A_198 = arith.constant 63 : index
    %get3A_199 = vector.load %arg6[%get3A_197, %get3A_198] : memref<10000x72xf32, #tpu.memory_space<vmem>>, vector<10000x9xf32>
    %dot_general3A_200 = arith.constant dense<0.000000e+00> : vector<80x9xf32>
    %dot_general3A_201 = tpu.matmul %mul3A_196, %get3A_199, %dot_general3A_200 {dimension_numbers = #tpu.dot_dimension_numbers<[1], [0], [0], [1], [0, 0, 1, 1], [], []>, transpose_lhs_hint = false} : vector<80x10000xf32>, vector<10000x9xf32>, vector<80x9xf32> -> vector<80x9xf32>
    %concatenate3A = tpu.concatenate %dot_general3A_26, %dot_general3A_51, %dot_general3A_76, %dot_general3A_101, %dot_general3A_126, %dot_general3A_151, %dot_general3A_176, %dot_general3A_201 in 1 : vector<80x9xf32>, vector<80x9xf32>, vector<80x9xf32>, vector<80x9xf32>, vector<80x9xf32>, vector<80x9xf32>, vector<80x9xf32>, vector<80x9xf32> -> vector<80x72xf32>
    %swap3A = arith.constant 0 : index
    %swap3A_202 = arith.constant 0 : index
    %swap3A_203 = vector.load %arg7[%swap3A, %swap3A_202] : memref<80x72xf32, #tpu.memory_space<vmem>>, vector<80x72xf32>
    tpu.vector_store %arg7[%swap3A, %swap3A_202], %concatenate3A {strides = array<i32>} : memref<80x72xf32, #tpu.memory_space<vmem>>, vector<80x72xf32>,
    return
  }
  func.func @transform_0(%arg0: i32) -> (i32, i32) {
    %c0_i32 = arith.constant 0 : i32
    %c0_i32_0 = arith.constant 0 : i32
    return %arg0, %c0_i32 : i32, i32
  }
  func.func @transform_1(%arg0: i32) -> (i32, i32) {
    %c0_i32 = arith.constant 0 : i32
    %c0_i32_0 = arith.constant 0 : i32
    return %arg0, %c0_i32 : i32, i32
  }
  func.func @transform_2(%arg0: i32) -> (i32, i32) {
    %c0_i32 = arith.constant 0 : i32
    %c0_i32_0 = arith.constant 0 : i32
    return %arg0, %c0_i32 : i32, i32
  }
  func.func @transform_3(%arg0: i32) -> (i32, i32) {
    %c0_i32 = arith.constant 0 : i32
    %c0_i32_0 = arith.constant 0 : i32
    %c0_i32_1 = arith.constant 0 : i32
    return %c0_i32, %c0_i32_0 : i32, i32
  }
  func.func @transform_4(%arg0: i32) -> (i32, i32) {
    %c0_i32 = arith.constant 0 : i32
    %c0_i32_0 = arith.constant 0 : i32
    %c0_i32_1 = arith.constant 0 : i32
    return %c0_i32, %c0_i32_0 : i32, i32
  }
  func.func @transform_5(%arg0: i32) -> (i32, i32) {
    %c0_i32 = arith.constant 0 : i32
    %c0_i32_0 = arith.constant 0 : i32
    %c0_i32_1 = arith.constant 0 : i32
    return %c0_i32, %c0_i32_0 : i32, i32
  }
  func.func @transform_6(%arg0: i32) -> (i32, i32) {
    %c0_i32 = arith.constant 0 : i32
    %c0_i32_0 = arith.constant 0 : i32
    return %arg0, %c0_i32 : i32, i32
  }
}

module attributes {stable_mosaic.version = 14 : i64} {
  func.func @_k3_body(%arg0: i32, %arg1: memref<400x72xf32, #tpu.memory_space<vmem>>, %arg2: memref<64x32xf32, #tpu.memory_space<vmem>>, %arg3: memref<32x2xf32, #tpu.memory_space<vmem>>, %arg4: memref<32x2xf32, #tpu.memory_space<vmem>>, %arg5: memref<400x16xf32, #tpu.memory_space<vmem>>, %arg6: memref<400x128xf32, #tpu.memory_space<vmem>>) attributes {dimension_semantics = [#tpu.dimension_semantics<arbitrary>], iteration_bounds = array<i64: 25>, scalar_prefetch = 0 : i64, scratch_operands = 0 : i64, tpu.core_type = #tpu.core_type<tc>, window_params = [{transform_indices = @transform_0, window_bounds = array<i64: 400, 72>}, {pipeline_mode = #tpu.pipeline_mode<synchronous>, transform_indices = @transform_1, window_bounds = array<i64: 64, 32>}, {pipeline_mode = #tpu.pipeline_mode<synchronous>, transform_indices = @transform_2, window_bounds = array<i64: 32, 2>}, {pipeline_mode = #tpu.pipeline_mode<synchronous>, transform_indices = @transform_3, window_bounds = array<i64: 32, 2>}, {transform_indices = @transform_4, window_bounds = array<i64: 400, 16>}, {transform_indices = @transform_5, window_bounds = array<i64: 400, 128>}]} {
    %get3A = arith.constant 0 : index
    %get3A_0 = arith.constant 0 : index
    %get3A_1 = vector.load %arg1[%get3A, %get3A_0] : memref<400x72xf32, #tpu.memory_space<vmem>>, vector<400x72xf32>
    %slice3A = vector.extract_strided_slice %get3A_1 {offsets = [0, 0], sizes = [400, 8], strides = [1, 1]} : vector<400x72xf32> to vector<400x8xf32>
    %slice3A_2 = vector.extract_strided_slice %get3A_1 {offsets = [0, 8], sizes = [400, 1], strides = [1, 1]} : vector<400x72xf32> to vector<400x1xf32>
    %div3A = vector.broadcast %slice3A_2 : vector<400x1xf32> to vector<400x8xf32>
    %div3A_3 = arith.divf %slice3A, %div3A : vector<400x8xf32>
    %gt3A = arith.constant 0.000000e+00 : f32
    %gt3A_4 = vector.broadcast %gt3A : f32 to vector<400x8xf32>
    %gt3A_5 = arith.cmpf ogt, %div3A_3, %gt3A_4 : vector<400x8xf32>
    %exp3A = math.exp %div3A_3 : vector<400x8xf32>
    %sub3A = arith.constant 1.000000e+00 : f32
    %sub3A_6 = vector.broadcast %sub3A : f32 to vector<400x8xf32>
    %sub3A_7 = arith.subf %exp3A, %sub3A_6 : vector<400x8xf32>
    %select_n3A = arith.select %gt3A_5, %div3A_3, %sub3A_7 : vector<400x8xi1>, vector<400x8xf32>
    %slice3A_8 = vector.extract_strided_slice %get3A_1 {offsets = [0, 9], sizes = [400, 8], strides = [1, 1]} : vector<400x72xf32> to vector<400x8xf32>
    %slice3A_9 = vector.extract_strided_slice %get3A_1 {offsets = [0, 17], sizes = [400, 1], strides = [1, 1]} : vector<400x72xf32> to vector<400x1xf32>
    %div3A_10 = vector.broadcast %slice3A_9 : vector<400x1xf32> to vector<400x8xf32>
    %div3A_11 = arith.divf %slice3A_8, %div3A_10 : vector<400x8xf32>
    %gt3A_12 = arith.constant 0.000000e+00 : f32
    %gt3A_13 = vector.broadcast %gt3A_12 : f32 to vector<400x8xf32>
    %gt3A_14 = arith.cmpf ogt, %div3A_11, %gt3A_13 : vector<400x8xf32>
    %exp3A_15 = math.exp %div3A_11 : vector<400x8xf32>
    %sub3A_16 = arith.constant 1.000000e+00 : f32
    %sub3A_17 = vector.broadcast %sub3A_16 : f32 to vector<400x8xf32>
    %sub3A_18 = arith.subf %exp3A_15, %sub3A_17 : vector<400x8xf32>
    %select_n3A_19 = arith.select %gt3A_14, %div3A_11, %sub3A_18 : vector<400x8xi1>, vector<400x8xf32>
    %slice3A_20 = vector.extract_strided_slice %get3A_1 {offsets = [0, 18], sizes = [400, 8], strides = [1, 1]} : vector<400x72xf32> to vector<400x8xf32>
    %slice3A_21 = vector.extract_strided_slice %get3A_1 {offsets = [0, 26], sizes = [400, 1], strides = [1, 1]} : vector<400x72xf32> to vector<400x1xf32>
    %div3A_22 = vector.broadcast %slice3A_21 : vector<400x1xf32> to vector<400x8xf32>
    %div3A_23 = arith.divf %slice3A_20, %div3A_22 : vector<400x8xf32>
    %gt3A_24 = arith.constant 0.000000e+00 : f32
    %gt3A_25 = vector.broadcast %gt3A_24 : f32 to vector<400x8xf32>
    %gt3A_26 = arith.cmpf ogt, %div3A_23, %gt3A_25 : vector<400x8xf32>
    %exp3A_27 = math.exp %div3A_23 : vector<400x8xf32>
    %sub3A_28 = arith.constant 1.000000e+00 : f32
    %sub3A_29 = vector.broadcast %sub3A_28 : f32 to vector<400x8xf32>
    %sub3A_30 = arith.subf %exp3A_27, %sub3A_29 : vector<400x8xf32>
    %select_n3A_31 = arith.select %gt3A_26, %div3A_23, %sub3A_30 : vector<400x8xi1>, vector<400x8xf32>
    %slice3A_32 = vector.extract_strided_slice %get3A_1 {offsets = [0, 27], sizes = [400, 8], strides = [1, 1]} : vector<400x72xf32> to vector<400x8xf32>
    %slice3A_33 = vector.extract_strided_slice %get3A_1 {offsets = [0, 35], sizes = [400, 1], strides = [1, 1]} : vector<400x72xf32> to vector<400x1xf32>
    %div3A_34 = vector.broadcast %slice3A_33 : vector<400x1xf32> to vector<400x8xf32>
    %div3A_35 = arith.divf %slice3A_32, %div3A_34 : vector<400x8xf32>
    %gt3A_36 = arith.constant 0.000000e+00 : f32
    %gt3A_37 = vector.broadcast %gt3A_36 : f32 to vector<400x8xf32>
    %gt3A_38 = arith.cmpf ogt, %div3A_35, %gt3A_37 : vector<400x8xf32>
    %exp3A_39 = math.exp %div3A_35 : vector<400x8xf32>
    %sub3A_40 = arith.constant 1.000000e+00 : f32
    %sub3A_41 = vector.broadcast %sub3A_40 : f32 to vector<400x8xf32>
    %sub3A_42 = arith.subf %exp3A_39, %sub3A_41 : vector<400x8xf32>
    %select_n3A_43 = arith.select %gt3A_38, %div3A_35, %sub3A_42 : vector<400x8xi1>, vector<400x8xf32>
    %slice3A_44 = vector.extract_strided_slice %get3A_1 {offsets = [0, 36], sizes = [400, 8], strides = [1, 1]} : vector<400x72xf32> to vector<400x8xf32>
    %slice3A_45 = vector.extract_strided_slice %get3A_1 {offsets = [0, 44], sizes = [400, 1], strides = [1, 1]} : vector<400x72xf32> to vector<400x1xf32>
    %div3A_46 = vector.broadcast %slice3A_45 : vector<400x1xf32> to vector<400x8xf32>
    %div3A_47 = arith.divf %slice3A_44, %div3A_46 : vector<400x8xf32>
    %gt3A_48 = arith.constant 0.000000e+00 : f32
    %gt3A_49 = vector.broadcast %gt3A_48 : f32 to vector<400x8xf32>
    %gt3A_50 = arith.cmpf ogt, %div3A_47, %gt3A_49 : vector<400x8xf32>
    %exp3A_51 = math.exp %div3A_47 : vector<400x8xf32>
    %sub3A_52 = arith.constant 1.000000e+00 : f32
    %sub3A_53 = vector.broadcast %sub3A_52 : f32 to vector<400x8xf32>
    %sub3A_54 = arith.subf %exp3A_51, %sub3A_53 : vector<400x8xf32>
    %select_n3A_55 = arith.select %gt3A_50, %div3A_47, %sub3A_54 : vector<400x8xi1>, vector<400x8xf32>
    %slice3A_56 = vector.extract_strided_slice %get3A_1 {offsets = [0, 45], sizes = [400, 8], strides = [1, 1]} : vector<400x72xf32> to vector<400x8xf32>
    %slice3A_57 = vector.extract_strided_slice %get3A_1 {offsets = [0, 53], sizes = [400, 1], strides = [1, 1]} : vector<400x72xf32> to vector<400x1xf32>
    %div3A_58 = vector.broadcast %slice3A_57 : vector<400x1xf32> to vector<400x8xf32>
    %div3A_59 = arith.divf %slice3A_56, %div3A_58 : vector<400x8xf32>
    %gt3A_60 = arith.constant 0.000000e+00 : f32
    %gt3A_61 = vector.broadcast %gt3A_60 : f32 to vector<400x8xf32>
    %gt3A_62 = arith.cmpf ogt, %div3A_59, %gt3A_61 : vector<400x8xf32>
    %exp3A_63 = math.exp %div3A_59 : vector<400x8xf32>
    %sub3A_64 = arith.constant 1.000000e+00 : f32
    %sub3A_65 = vector.broadcast %sub3A_64 : f32 to vector<400x8xf32>
    %sub3A_66 = arith.subf %exp3A_63, %sub3A_65 : vector<400x8xf32>
    %select_n3A_67 = arith.select %gt3A_62, %div3A_59, %sub3A_66 : vector<400x8xi1>, vector<400x8xf32>
    %slice3A_68 = vector.extract_strided_slice %get3A_1 {offsets = [0, 54], sizes = [400, 8], strides = [1, 1]} : vector<400x72xf32> to vector<400x8xf32>
    %slice3A_69 = vector.extract_strided_slice %get3A_1 {offsets = [0, 62], sizes = [400, 1], strides = [1, 1]} : vector<400x72xf32> to vector<400x1xf32>
    %div3A_70 = vector.broadcast %slice3A_69 : vector<400x1xf32> to vector<400x8xf32>
    %div3A_71 = arith.divf %slice3A_68, %div3A_70 : vector<400x8xf32>
    %gt3A_72 = arith.constant 0.000000e+00 : f32
    %gt3A_73 = vector.broadcast %gt3A_72 : f32 to vector<400x8xf32>
    %gt3A_74 = arith.cmpf ogt, %div3A_71, %gt3A_73 : vector<400x8xf32>
    %exp3A_75 = math.exp %div3A_71 : vector<400x8xf32>
    %sub3A_76 = arith.constant 1.000000e+00 : f32
    %sub3A_77 = vector.broadcast %sub3A_76 : f32 to vector<400x8xf32>
    %sub3A_78 = arith.subf %exp3A_75, %sub3A_77 : vector<400x8xf32>
    %select_n3A_79 = arith.select %gt3A_74, %div3A_71, %sub3A_78 : vector<400x8xi1>, vector<400x8xf32>
    %slice3A_80 = vector.extract_strided_slice %get3A_1 {offsets = [0, 63], sizes = [400, 8], strides = [1, 1]} : vector<400x72xf32> to vector<400x8xf32>
    %slice3A_81 = vector.extract_strided_slice %get3A_1 {offsets = [0, 71], sizes = [400, 1], strides = [1, 1]} : vector<400x72xf32> to vector<400x1xf32>
    %div3A_82 = vector.broadcast %slice3A_81 : vector<400x1xf32> to vector<400x8xf32>
    %div3A_83 = arith.divf %slice3A_80, %div3A_82 : vector<400x8xf32>
    %gt3A_84 = arith.constant 0.000000e+00 : f32
    %gt3A_85 = vector.broadcast %gt3A_84 : f32 to vector<400x8xf32>
    %gt3A_86 = arith.cmpf ogt, %div3A_83, %gt3A_85 : vector<400x8xf32>
    %exp3A_87 = math.exp %div3A_83 : vector<400x8xf32>
    %sub3A_88 = arith.constant 1.000000e+00 : f32
    %sub3A_89 = vector.broadcast %sub3A_88 : f32 to vector<400x8xf32>
    %sub3A_90 = arith.subf %exp3A_87, %sub3A_89 : vector<400x8xf32>
    %select_n3A_91 = arith.select %gt3A_86, %div3A_83, %sub3A_90 : vector<400x8xi1>, vector<400x8xf32>
    %concatenate3A = tpu.concatenate %select_n3A, %select_n3A_19, %select_n3A_31, %select_n3A_43, %select_n3A_55, %select_n3A_67, %select_n3A_79, %select_n3A_91 in 1 : vector<400x8xf32>, vector<400x8xf32>, vector<400x8xf32>, vector<400x8xf32>, vector<400x8xf32>, vector<400x8xf32>, vector<400x8xf32>, vector<400x8xf32> -> vector<400x64xf32>
    %get3A_92 = arith.constant 0 : index
    %get3A_93 = arith.constant 0 : index
    %get3A_94 = vector.load %arg2[%get3A_92, %get3A_93] : memref<64x32xf32, #tpu.memory_space<vmem>>, vector<64x32xf32>
    %dot_general3A = arith.constant dense<0.000000e+00> : vector<400x32xf32>
    %dot_general3A_95 = tpu.matmul %concatenate3A, %get3A_94, %dot_general3A {dimension_numbers = #tpu.dot_dimension_numbers<[1], [0], [0], [1], [0, 0, 1, 1], [], []>, transpose_lhs_hint = false} : vector<400x64xf32>, vector<64x32xf32>, vector<400x32xf32> -> vector<400x32xf32>
    %get3A_96 = arith.constant 0 : index
    %get3A_97 = arith.constant 0 : index
    %get3A_98 = vector.load %arg3[%get3A_96, %get3A_97] : memref<32x2xf32, #tpu.memory_space<vmem>>, vector<32x2xf32>
    %dot_general3A_99 = arith.constant dense<0.000000e+00> : vector<400x2xf32>
    %dot_general3A_100 = tpu.matmul %dot_general3A_95, %get3A_98, %dot_general3A_99 {dimension_numbers = #tpu.dot_dimension_numbers<[1], [0], [0], [1], [0, 0, 1, 1], [], []>, transpose_lhs_hint = false} : vector<400x32xf32>, vector<32x2xf32>, vector<400x2xf32> -> vector<400x2xf32>
    %get3A_101 = arith.constant 0 : index
    %get3A_102 = arith.constant 0 : index
    %get3A_103 = vector.load %arg4[%get3A_101, %get3A_102] : memref<32x2xf32, #tpu.memory_space<vmem>>, vector<32x2xf32>
    %dot_general3A_104 = arith.constant dense<0.000000e+00> : vector<400x2xf32>
    %dot_general3A_105 = tpu.matmul %dot_general3A_95, %get3A_103, %dot_general3A_104 {dimension_numbers = #tpu.dot_dimension_numbers<[1], [0], [0], [1], [0, 0, 1, 1], [], []>, transpose_lhs_hint = false} : vector<400x32xf32>, vector<32x2xf32>, vector<400x2xf32> -> vector<400x2xf32>
    %broadcast_in_dim3A = arith.constant 0.000000e+00 : f32
    %broadcast_in_dim3A_106 = vector.broadcast %broadcast_in_dim3A : f32 to vector<400x12xf32>
    %neg3A = arith.constant 0.000000e+00 : f32
    %neg3A_107 = vector.broadcast %neg3A : f32 to vector<400x2xf32>
    %neg3A_108 = arith.subf %neg3A_107, %dot_general3A_100 : vector<400x2xf32>
    %exp3A_109 = math.exp %neg3A_108 : vector<400x2xf32>
    %mul3A = arith.constant -2.000000e-01 : f32
    %mul3A_110 = vector.broadcast %mul3A : f32 to vector<400x2xf32>
    %mul3A_111 = arith.mulf %mul3A_110, %dot_general3A_100 : vector<400x2xf32>
    %exp3A_112 = math.exp %mul3A_111 : vector<400x2xf32>
    %concatenate3A_113 = tpu.concatenate %exp3A_109, %exp3A_112, %broadcast_in_dim3A_106 in 1 : vector<400x2xf32>, vector<400x2xf32>, vector<400x12xf32> -> vector<400x16xf32>
    %swap3A = arith.constant 0 : index
    %swap3A_114 = arith.constant 0 : index
    %swap3A_115 = vector.load %arg5[%swap3A, %swap3A_114] : memref<400x16xf32, #tpu.memory_space<vmem>>, vector<400x16xf32>
    tpu.vector_store %arg5[%swap3A, %swap3A_114], %concatenate3A_113 {strides = array<i32>} : memref<400x16xf32, #tpu.memory_space<vmem>>, vector<400x16xf32>,
    %broadcast_in_dim3A_116 = arith.constant 0.000000e+00 : f32
    %broadcast_in_dim3A_117 = vector.broadcast %broadcast_in_dim3A_116 : f32 to vector<400x80xf32>
    %neg3A_118 = arith.constant 0.000000e+00 : f32
    %neg3A_119 = vector.broadcast %neg3A_118 : f32 to vector<400x2xf32>
    %neg3A_120 = arith.subf %neg3A_119, %dot_general3A_105 : vector<400x2xf32>
    %exp3A_121 = math.exp %neg3A_120 : vector<400x2xf32>
    %mul3A_122 = arith.constant -2.000000e-01 : f32
    %mul3A_123 = vector.broadcast %mul3A_122 : f32 to vector<400x2xf32>
    %mul3A_124 = arith.mulf %mul3A_123, %dot_general3A_105 : vector<400x2xf32>
    %exp3A_125 = math.exp %mul3A_124 : vector<400x2xf32>
    %concatenate3A_126 = tpu.concatenate %exp3A_121, %exp3A_125, %broadcast_in_dim3A_106, %dot_general3A_95, %broadcast_in_dim3A_117 in 1 : vector<400x2xf32>, vector<400x2xf32>, vector<400x12xf32>, vector<400x32xf32>, vector<400x80xf32> -> vector<400x128xf32>
    %swap3A_127 = arith.constant 0 : index
    %swap3A_128 = arith.constant 0 : index
    %swap3A_129 = vector.load %arg6[%swap3A_127, %swap3A_128] : memref<400x128xf32, #tpu.memory_space<vmem>>, vector<400x128xf32>
    tpu.vector_store %arg6[%swap3A_127, %swap3A_128], %concatenate3A_126 {strides = array<i32>} : memref<400x128xf32, #tpu.memory_space<vmem>>, vector<400x128xf32>,
    return
  }
  func.func @transform_0(%arg0: i32) -> (i32, i32) {
    %c0_i32 = arith.constant 0 : i32
    %c0_i32_0 = arith.constant 0 : i32
    return %arg0, %c0_i32 : i32, i32
  }
  func.func @transform_1(%arg0: i32) -> (i32, i32) {
    %c0_i32 = arith.constant 0 : i32
    %c0_i32_0 = arith.constant 0 : i32
    %c0_i32_1 = arith.constant 0 : i32
    return %c0_i32, %c0_i32_0 : i32, i32
  }
  func.func @transform_2(%arg0: i32) -> (i32, i32) {
    %c0_i32 = arith.constant 0 : i32
    %c0_i32_0 = arith.constant 0 : i32
    %c0_i32_1 = arith.constant 0 : i32
    return %c0_i32, %c0_i32_0 : i32, i32
  }
  func.func @transform_3(%arg0: i32) -> (i32, i32) {
    %c0_i32 = arith.constant 0 : i32
    %c0_i32_0 = arith.constant 0 : i32
    %c0_i32_1 = arith.constant 0 : i32
    return %c0_i32, %c0_i32_0 : i32, i32
  }
  func.func @transform_4(%arg0: i32) -> (i32, i32) {
    %c0_i32 = arith.constant 0 : i32
    %c0_i32_0 = arith.constant 0 : i32
    return %arg0, %c0_i32 : i32, i32
  }
  func.func @transform_5(%arg0: i32) -> (i32, i32) {
    %c0_i32 = arith.constant 0 : i32
    %c0_i32_0 = arith.constant 0 : i32
    return %arg0, %c0_i32 : i32, i32
  }
}

module attributes {stable_mosaic.version = 14 : i64} {
  func.func @_k5_body(%arg0: i32, %arg1: memref<400x48xf32, #tpu.memory_space<vmem>>, %arg2: memref<400x16xf32, #tpu.memory_space<vmem>>, %arg3: memref<400x16xf32, #tpu.memory_space<vmem>>) attributes {dimension_semantics = [#tpu.dimension_semantics<arbitrary>], iteration_bounds = array<i64: 25>, scalar_prefetch = 0 : i64, scratch_operands = 0 : i64, tpu.core_type = #tpu.core_type<tc>, window_params = [{transform_indices = @transform_0, window_bounds = array<i64: 400, 48>}, {transform_indices = @transform_1, window_bounds = array<i64: 400, 16>}, {transform_indices = @transform_2, window_bounds = array<i64: 400, 16>}]} {
    %get3A = arith.constant 0 : index
    %get3A_0 = arith.constant 0 : index
    %get3A_1 = vector.load %arg1[%get3A, %get3A_0] : memref<400x48xf32, #tpu.memory_space<vmem>>, vector<400x48xf32>
    %slice3A = vector.extract_strided_slice %get3A_1 {offsets = [0, 16], sizes = [400, 16], strides = [1, 1]} : vector<400x48xf32> to vector<400x16xf32>
    %slice3A_2 = vector.extract_strided_slice %get3A_1 {offsets = [0, 0], sizes = [400, 1], strides = [1, 1]} : vector<400x48xf32> to vector<400x1xf32>
    %div3A = vector.broadcast %slice3A_2 : vector<400x1xf32> to vector<400x16xf32>
    %div3A_3 = arith.divf %slice3A, %div3A : vector<400x16xf32>
    %swap3A = arith.constant 0 : index
    %swap3A_4 = arith.constant 0 : index
    %swap3A_5 = vector.load %arg2[%swap3A, %swap3A_4] : memref<400x16xf32, #tpu.memory_space<vmem>>, vector<400x16xf32>
    tpu.vector_store %arg2[%swap3A, %swap3A_4], %div3A_3 {strides = array<i32>} : memref<400x16xf32, #tpu.memory_space<vmem>>, vector<400x16xf32>,
    %slice3A_6 = vector.extract_strided_slice %get3A_1 {offsets = [0, 32], sizes = [400, 16], strides = [1, 1]} : vector<400x48xf32> to vector<400x16xf32>
    %slice3A_7 = vector.extract_strided_slice %get3A_1 {offsets = [0, 1], sizes = [400, 1], strides = [1, 1]} : vector<400x48xf32> to vector<400x1xf32>
    %div3A_8 = vector.broadcast %slice3A_7 : vector<400x1xf32> to vector<400x16xf32>
    %div3A_9 = arith.divf %slice3A_6, %div3A_8 : vector<400x16xf32>
    %swap3A_10 = arith.constant 0 : index
    %swap3A_11 = arith.constant 0 : index
    %swap3A_12 = vector.load %arg3[%swap3A_10, %swap3A_11] : memref<400x16xf32, #tpu.memory_space<vmem>>, vector<400x16xf32>
    tpu.vector_store %arg3[%swap3A_10, %swap3A_11], %div3A_9 {strides = array<i32>} : memref<400x16xf32, #tpu.memory_space<vmem>>, vector<400x16xf32>,
    return
  }
  func.func @transform_0(%arg0: i32) -> (i32, i32) {
    %c0_i32 = arith.constant 0 : i32
    %c0_i32_0 = arith.constant 0 : i32
    return %arg0, %c0_i32 : i32, i32
  }
  func.func @transform_1(%arg0: i32) -> (i32, i32) {
    %c0_i32 = arith.constant 0 : i32
    %c0_i32_0 = arith.constant 0 : i32
    return %arg0, %c0_i32 : i32, i32
  }
  func.func @transform_2(%arg0: i32) -> (i32, i32) {
    %c0_i32 = arith.constant 0 : i32
    %c0_i32_0 = arith.constant 0 : i32
    return %arg0, %c0_i32 : i32, i32
  }
}

</mosaic_0001>

<sc_bundles>
// kernel: kernel.12.cloned.1.call-start
scs
__scs_entry_jumppad:
0x0: {  	(pc) =	sbr.rel $0x88, $3  }
0x1: {  	(tag) =	ssettag $0x0;
	lr =	simm.s32 $0x1  }
0x2: {  	[smem:$0x3F99] =	sst lr;
	_ =	strace $0xD0000000  }
0x3: {  	_ = 	snop  }
0x4: {  	_ = 	snop  }
0x5: {  	_ = 	snop  }
0x6: {  	_ = 	snop  }
0x7: {  	_ = 	snop  }
__scs_overlays_trampoline_lowered:
0x8: {  	[smem:$0x3FA8] =	sst s0  }
0x9: {  	[smem:$0x3FA9] =	sst s1  }
0xa: {  	[smem:$0x3FAA] =	sst s2  }
0xb: {  	[smem:$0x3FAB] =	sst s3  }
0xc: {  	[smem:$0x3FAC] =	sst s4  }
0xd: {  	[smem:$0x3FAD] =	sst s5  }
0xe: {  	[smem:$0x3FAE] =	sst s6  }
0xf: {  	[smem:$0x3FAF] =	sst s7  }
0x10: {  	[smem:$0x3FB0] =	sst s8  }
0x11: {  	[smem:$0x3FB1] =	sst s9;
	s0 =	simm.s32 @!p0 $0x0  }
0x12: {  	s1 =	sld [smem:$0x3F97];
	s0 =	simm.s32 @p0 $0x1  }
0x13: {  	[smem:$0x3FB2] =	sst s0;
	s0 =	simm.s32 @!p1 $0x0  }
0x14: {  	s2 =	sld [smem:$0x3F96];
	s0 =	simm.s32 @p1 $0x1  }
0x15: {  	[smem:$0x3FB3] =	sst s0;
	s0 =	simm.s32 @!p2 $0x0  }
0x16: {  	s3 =	sld [smem:$0x3FDB];
	s0 =	simm.s32 @p2 $0x1  }
0x17: {  	s4 =	simm.s32 $0x1BF5;
	[smem:$0x3FB5] =	sst s0  }
0x18: {  	s0 =	sld [smem:$0x3F98];
	_ =	swait.ge [sflag:s4], $0x0  }
0x19: {  	s7 =	sld [smem:$0x3F99]  }
0x1a: {  	s8 =	sadd.s32 $0xFFFFE003, lr  }
0x1b: {  	s9 =	sadd.s32 $0xFFFFFEF7, lr;
	s5 =	simm.s32 $0xFFFFFFFF;
	p2 =	slt.u32 s8, $0xFFFFF086  }
0x1c: {  	p1 =	slt.u32 s9, $0xF7A;
	s5 =	simm.s32 @!p2 $0x0  }
0x1d: {  	s5 =	simm.s32 @p1 $0x1;
	p0 =	seq.s32 s7, s2  }
0x1e: {  	s7 =	smul.u32 @!p0 $0xF7A, s2;
	p2 =	seq.s32 @!p0 s5, $0x0  }
0x1f: {  	s9 =	smul.u32 $0xF7A, s1;
	s8 =	simm.s32 @!p0 $0x1BF5;
	p2 =	por !p2, p0  }
0x20: {  	[sflag:s8] =	ssyncset.s32 @!p0 $0xFFFFF086;
	s6 =	sadd.s32 @!p0 s3, s7;
	s7 =	simm.s32 @!p0 $0x108  }
0x21: {  	s3 =	sadd.s32 s3, s9;
	s6 =	sadd.s32 @!p0 $0x88, s6;
	s7 =	simm.s32 @p2 $0x1082  }
0x22: {  	[simem:s7], [sflag:s8] =	dma.local @!p0 [hbm:s6], $0xF7A  }
0x23: {  	s9 =	sor.u32 $0xD0000000, s2;
	s6 =	simm.s32 $0x108;
	_ =	swait.ge @!p0 [sflag:s8], $0x0  }
0x24: {  	s3 =	sadd.s32 $0x88, s3;
	s6 =	simm.s32 @!p1 $0x1082;
	[sflag:s4] =	ssyncset.s32 $0xFFFFF086  }
0x25: {  	[simem:s6], [sflag:s4] =	dma.local [hbm:s3], $0xF7A  }
0x26: {  	[smem:$0x3F99] =	sst s1;
	(tag) =	ssettag s2;
	_ =	strace s9  }
0x27: {  	s1 =	sld [smem:$0x3FA9]  }
0x28: {  	s2 =	sld [smem:$0x3FAA]  }
0x29: {  	s4 =	sld [smem:$0x3FAC]  }
0x2a: {  	p0 =	seq.s32 s5, $0x0;
	s5 =	sld [smem:$0x3FAD]  }
0x2b: {  	s6 =	sld [smem:$0x3FAE]  }
0x2c: {  	s7 =	sld [smem:$0x3FAF]  }
0x2d: {  	s3 =	simm.s32 $0x108;
	s8 =	sld [smem:$0x3FB0]  }
0x2e: {  	s3 =	simm.s32 @!p0 $0x1082;
	s9 =	sld [smem:$0x3FB1]  }
0x2f: {  	lr =	sadd.s32 s0, s3;
	s0 =	sld [smem:$0x3FA8]  }
0x30: {  	s3 =	sld [smem:$0x3FAB]  }
0x31: {  	[smem:$0x3FB4] =	sst s10  }
0x32: {  	s10 =	sld [smem:$0x3FB2];
	_ =	sdelay $0x3  }
0x33: {  	p0 =	seq.s32 s10, $0x1;
	s10 =	sld [smem:$0x3FB4];
	_ =	sdelay $0x3  }
0x34: {  	[smem:$0x3FB4] =	sst s10  }
0x35: {  	s10 =	sld [smem:$0x3FB3];
	_ =	sdelay $0x3  }
0x36: {  	p1 =	seq.s32 s10, $0x1;
	s10 =	sld [smem:$0x3FB4];
	_ =	sdelay $0x3  }
0x37: {  	[smem:$0x3FB4] =	sst s10  }
0x38: {  	s10 =	sld [smem:$0x3FB5]  }
0x39: {  	_ = 	snop;
	(pc) =	sbr.ind lr, $3  }
0x3a: {  	_ = 	snop  }
0x3b: {  	_ = 	snop  }
0x3c: {  	p2 =	seq.s32 s10, $0x1;
	s10 =	sld [smem:$0x3FB4]  }
0x3d: {  	_ =	shalt  }
0x3e: {  	_ =	shalt  }
0x3f: {  	_ =	shalt  }
0x40: {  	_ =	shalt  }
0x41: {  	_ =	shalt  }
0x42: {  	_ =	shalt  }
0x43: {  	_ =	shalt  }
0x44: {  	_ =	shalt  }
0x45: {  	_ =	shalt  }
0x46: {  	_ =	shalt  }
0x47: {  	_ =	shalt  }
0x48: {  	_ =	shalt  }
0x49: {  	_ =	shalt  }
0x4a: {  	_ =	shalt  }
0x4b: {  	_ =	shalt  }
0x4c: {  	_ =	shalt  }
0x4d: {  	_ =	shalt  }
0x4e: {  	_ =	shalt  }
0x4f: {  	_ =	shalt  }
0x50: {  	_ =	shalt  }
0x51: {  	_ =	shalt  }
0x52: {  	_ =	shalt  }
0x53: {  	_ =	shalt  }
0x54: {  	_ =	shalt  }
0x55: {  	_ =	shalt  }
0x56: {  	_ =	shalt  }
0x57: {  	_ =	shalt  }
0x58: {  	_ =	shalt  }
0x59: {  	_ =	shalt  }
0x5a: {  	_ =	shalt  }
0x5b: {  	_ =	shalt  }
0x5c: {  	_ =	shalt  }
0x5d: {  	_ =	shalt  }
0x5e: {  	_ =	shalt  }
0x5f: {  	_ =	shalt  }
0x60: {  	_ =	shalt  }
0x61: {  	_ =	shalt  }
0x62: {  	_ =	shalt  }
0x63: {  	_ =	shalt  }
0x64: {  	_ =	shalt  }
0x65: {  	_ =	shalt  }
0x66: {  	_ =	shalt  }
0x67: {  	_ =	shalt  }
0x68: {  	_ =	shalt  }
0x69: {  	_ =	shalt  }
0x6a: {  	_ =	shalt  }
0x6b: {  	_ =	shalt  }
0x6c: {  	_ =	shalt  }
0x6d: {  	_ =	shalt  }
0x6e: {  	_ =	shalt  }
0x6f: {  	_ =	shalt  }
0x70: {  	_ =	shalt  }
0x71: {  	_ =	shalt  }
0x72: {  	_ =	shalt  }
0x73: {  	_ =	shalt  }
0x74: {  	_ =	shalt  }
0x75: {  	_ =	shalt  }
0x76: {  	_ =	shalt  }
0x77: {  	_ =	shalt  }
0x78: {  	_ =	shalt  }
0x79: {  	_ =	shalt  }
0x7a: {  	_ =	shalt  }
0x7b: {  	_ =	shalt  }
0x7c: {  	_ =	shalt  }
0x7d: {  	_ =	shalt  }
0x7e: {  	_ =	shalt  }
0x7f: {  	_ =	shalt  }
0x80: {  	_ =	shalt  }
0x81: {  	_ =	shalt  }
0x82: {  	_ =	shalt  }
0x83: {  	_ =	shalt  }
0x84: {  	_ =	shalt  }
0x85: {  	_ =	shalt  }
0x86: {  	_ =	shalt  }
0x87: {  	_ =	shalt  }
.Lfunc_end0:
.L_simem_size_0:
called_computation.1_lowered:
.L_overlay_start_0:
0x88: {  	s2 =	sld [smem:$0x3FD9]  }
0x89: {  	s3 =	sld [smem:$0x3FFE];
	_ =	sdelay $0x1  }
0x8a: {  	s1 =	srdreg.scid  }
0x8b: {  	s0 =	sand.u32 $0x1, s1  }
0x8c: {  	s16 =	sshll.u32 s0, $0xA;
	s2 =	sadd.s32 s3, s2  }
0x8d: {  	s2 =	sadd.s32 s2, s16  }
0x8e: {  	[smem:$0x3FC0] =	sst s2  }
0x8f: {  	_ = 	snop  }
0x90: {  	(tm) =	ssettm $0x1  }
0x91: {  	s17 =	sld [smem:$0x3FFB];
	_ =	sdelay $0x3  }
0x92: {  	_ =	strace s17  }
0x93: {  	s2 =	sld [smem:$0x3FFC];
	_ =	sdelay $0x3  }
0x94: {  	_ =	strace s2  }
0x95: {  	s2 =	sld [smem:$0x3FFD];
	_ =	sdelay $0x3  }
0x96: {  	_ =	strace s2  }
0x97: {  	_ =	strace $0x8FFFFFFF  }
0x98: {  	s18 =	sld [smem:$0x3FDB];
	_ =	sdelay $0x1  }
0x99: {  	s19 =	simm.s32 $_scs_section_size  }
0x9a: {  	s4 =	simm.s32 $_size__tile_overlayer_lowered;
	s5 =	simm.s32 $_tile_overlayer_lowered  }
0x9b: {  	s22 =	simm.s32 $0x1BFF;
	s21 =	sshll.u32 s5, $0x1;
	s2 =	sadd.s32 s19, s18  }
0x9c: {  	s6 =	simm.s32 $0x0;
	s20 =	sshll.u32 s4, $0x1;
	s4 =	sadd.s32 s21, s2  }
0x9d: {  	[timem:s6], [sflag:s22] =	dma.local [hbm:s4], s20  }
0x9e: {  	_ =	swait.ge [sflag:s22], s20  }
0x9f: {  	s3 =	ssub.s32 $0x0, s20;
	[sflag:s22] =	ssyncset.done $0x0  }
0xa0: {  	[sflag:s22] =	ssyncadd.s32 s3;
	_ =	sdelay $0x1  }
0xa1: {  	s23 =	simm.s32 $0x1B8B  }
0xa2: {  	_ =	swait.ge [sflag:s23], $0x1  }
0xa3: {  	[sflag:s23] =	ssyncset.done $0x0  }
0xa4: {  	s25 =	simm.s32 $0x1B8E;
	s24 =	sld [smem:$0x3FFE];
	[sflag:s23] =	ssyncadd.s32 $0xFFFFFFFF  }
0xa5: {  	s26 =	simm.s32 $execute0_lowered;
	[smem:$0x3FD2] =	sst s25  }
0xa6: {  	s4 =	sshll.u32 s26, $0x1;
	_ =	strace $0x80000049;
	[dreg:$0x1] =	wrdreg $0xFFFFFFFF  }
0xa7: {  	s28 =	simm.s32 $_size_execute0_lowered;
	s2 =	sadd.s32 s2, s4;
	[dreg:$0x0] =	wrdreg $0x0  }
0xa8: {  	s4 =	sshll.u32 s28, $0x1;
	[dreg:$0x2] =	wrdreg s2  }
0xa9: {  	[dreg:$0x3] =	wrdreg s4  }
0xaa: {  	[dreg:$0x4] =	wrdreg $0xC0  }
0xab: {  	_ =	task [dreg:s6], $0x5FFFF  }
0xac: {  	[dreg:$0x1] =	wrdreg $0xFFFFFFFF  }
0xad: {  	[dreg:$0x0] =	wrdreg $0x60  }
0xae: {  	[dreg:$0x2] =	wrdreg s24  }
0xaf: {  	[dreg:$0x3] =	wrdreg $0x9  }
0xb0: {  	_ =	task.clear_ibuf [dreg:s6], $0x4FFFF;
	_ =	strace $0x90000049  }
0xb1: {  	s29 =	simm.s32 $0x9;
	_ =	strace $0x8000004B  }
0xb2: {  	_ =	swait.ge [sflag:s29], $0x1  }
0xb3: {  	[sflag:s29] =	ssyncadd.s32 $0xFFFFFFFF  }
0xb4: {  	_ =	strace $0x9000004B  }
0xb5: {  	_ =	sfence  }
0xb6: {  	s30 =	sld [smem:$0x0];
	_ =	sdelay $0x2  }
0xb7: {  	s31 =	sshll.u32 s1, $0xD;
	s1 =	sshrl.u32 s1, $0x2  }
0xb8: {  	s3 =	sand.u32 $0x4000, s31;
	s1 =	sadd.s32 s1, s30  }
0xb9: {  	s0 =	sor.u32 s3, s0;
	s1 =	sshll.u32 s1, $0x11  }
0xba: {  	s0 =	sor.u32 s1, s0  }
0xbb: {  	s0 =	sadd.s32 $0x8F2B, s0  }
0xbc: {  	[sflag:s0] =	ssyncadd.remote.s32 $0x1  }
0xbd: {  	_ =	sfence.sel $0xFFFF  }
0xbe: {  	[dreg:$0x0] =	wrdreg $0xFFFFFFFF;
	(pc) =	sbr.abs _section_cstart, $3  }
0xbf: {  	[dreg:$0x1] =	wrdreg $0xFFFFFFFF  }
0xc0: {  	_ =	task.clear_ibuf [dreg:s6], $0x2FFFF;
	_ =	strace $0x9FFFFFFF  }
0xc1: {  	(tm) =	ssettm $0x7FFFFFFF  }
tec
execute0_lowered:
.L_overlay_start_1:
0x0: {  	(tag) =	ssettag $0x1  }
0x1: {  	s0 =	srdreg.scid  }
0x2: {  	s2 =	stileid.u32;
	s1 =	rddreg [dreg:$0x0];
	s30 =	simm.s32 $0x0  }
0x3: {  	s12 =	simm.s32 $0x2;
	s13 =	simm.s32 $0x4000;
	s14 =	simm.s32 $0x11000  }
0x4: {  	s16 =	simm.s32 $0x1;
	s17 =	simm.s32 $0x80;
	s18 =	simm.s32 $0xD000  }
0x5: {  	s19 =	simm.s32 $0x9400;
	s0 =	sand.u32 $0x1, s0;
	s3 =	sshll.u32 s2, $0x1  }
0x6: {  	s20 =	simm.s32 $0x0;
	[smem:$0x7FF] =	sst s30;
	s9 =	sor.u32 s0, s3  }
0x7: {  	_ =	strace $0x8000004A;
	s0 =	ssub.s32 $0x2, s0;
	s3 =	smul.u32 $0x280, s9  }
0x8: {  	v0 =	vimm.s32 $0x10FEDCBA;
	v1 =	vimm.s32 $0x98765432;
	s4 =	sshll.u32 s9, $0xB;
	s5 =	smul.u32 $0x780, s9;
	s31 =	sshrl.u32 s0, $0x1  }
.Ltmp0:
0x9: {  	v0 =	vunpack.c.l.s4.s8 v0;
	v1 =	vunpack.c.l.s4.s8 v1;
	s15 =	sshll.u32 s9, $0x6;
	s8 =	sadd.s32 s4, s1;
	(pc) =	sbr.rel .LBB2_1-.Ltmp0, $4  }
0xa: {  	s4 =	sadd.s32 $0xCCA200, s1;
	s0 =	ssub.s32 s0, s31;
	s6 =	sadd.s32 s3, s1  }
0xb: {  	v3 =	vunpack.c.0.s8.s32 v0;
	v4 =	vunpack.c.0.s8.s32 v1;
	s3 =	sadd.s32 $0x3800, s1;
	s1 =	sadd.s32 s5, s1;
	s5 =	smul.u32 $0xFFFFFEC0, s9  }
0xc: {  	v2 =	vimm.s32 $0x0;
	vm0 =	vmmov $0x3;
	v0 =	vimm.f32 $0.0e+00;
	s15 =	sshrl.u32 s15, $0x2;
	s7 =	sadd.s32 $0xCAA200, s8;
	s8 =	sadd.s32 $0xCBA200, s8  }
0xd: {  	v1 =	vlaneseq.u32;
	s10 =	smax.u32 s0, $0x1;
	v3 =	vcombine.low v4, v3;
	v4 =	vimm.s32 $0x1;
	s6 =	sadd.s32 $0x2AA00, s6;
	s9 =	sadd.s32 $0x2FC00, s1  }
.LBB2_14:
0xe: {  	s20 =	sadd.s32 $0x1, s20  }
0xf: {  	p0 =	sne.s32 s20, s10  }
.Ltmp1:
0x10: {  	s0 =	simm.s32 $0x0;
	(pc) =	sbr.rel @!p0 .LBB2_15-.Ltmp1, $4  }
0x11: {  	[hbm4b:s9+s0] =	stream.linear.scatter [tilespmem:s19], [sflag:$0x2], $0x3C00, $0x38;
	[tilespmem:$0x11200] =	vst v63  }
0x12: {  	_ =	swait.ge [sflag:s12], $0x3C00  }
0x13: {  	[sflag:s12] =	ssyncset.done $0x0  }
0x14: {  	[sflag:s12] =	ssyncadd.s32 $0xFFFFC400  }
.LBB2_1:
0x15: {  	s0 =	simm.s32 $0x40;
	s1 =	simm.s32 $0x0  }
.LBB2_2:
0x16: {  	p0 =	sne.s32 s0, $0xEFC0;
	[tilespmem:s1+$0x9400] =	vst v0;
	s1 =	smov.u32 s0;
	s0 =	sadd.s32 $0x40, s0  }
.Ltmp2:
0x17: {  	(pc) =	sbr.rel @p0 .LBB2_2-.Ltmp2, $2  }
0x18: {  	_ =	sdelay $0x2  }
0x19: {  	s1 =	sshra.s32 s1, $0x2  }
0x1a: {  	[tilespmem:s1+$0x9400] =	vst v0;
	s21 =	simm.s32 $0x0;
	s0 =	simm.s32 $0x8000  }
0x1b: {  	[tilespmem:s0], [sflag:$0x2] =	stream.linear.gather [hbm4b:s6+s21], $0x1400, $0x38;
	[tilespmem:$0x11200] =	vst v63  }
0x1c: {  	_ =	swait.ge [sflag:s12], $0x1400  }
0x1d: {  	[sflag:s12] =	ssyncset.done $0x0  }
0x1e: {  	[sflag:s12] =	ssyncadd.s32 $0xFFFFEC00  }
0x1f: {  	[tilespmem:s21], [sflag:$0x2] =	stream.linear.gather [hbm4b:s7+s21], $0x4000, $0x38;
	[tilespmem:$0x11200] =	vst v63  }
0x20: {  	_ =	swait.ge [sflag:s12], $0x4000  }
0x21: {  	[sflag:s12] =	ssyncset.done $0x0  }
0x22: {  	[sflag:s12] =	ssyncadd.s32 $0xFFFFC000  }
0x23: {  	[tilespmem:s13], [sflag:$0x2] =	stream.linear.gather [hbm4b:s8+s21], $0x4000, $0x38;
	[tilespmem:$0x11200] =	vst v63  }
0x24: {  	_ =	swait.ge [sflag:s12], $0x4000  }
0x25: {  	[sflag:s12] =	ssyncset.done $0x0  }
0x26: {  	[sflag:s12] =	ssyncadd.s32 $0xFFFFC000  }
0x27: {  	[tilespmem:s14], [sflag:$0x2] =	stream.linear.gather [hbm4b:s4+s21], $0x200, $0x38;
	[tilespmem:$0x11200] =	vst v63  }
0x28: {  	_ =	swait.ge [sflag:s12], $0x200  }
0x29: {  	[sflag:s12] =	ssyncset.done $0x0  }
0x2a: {  	[sflag:s12] =	ssyncadd.s32 $0xFFFFFE00  }
0x2b: {  	v5 =	vld [tilespmem:s15+$0x11000];
	_ =	sdelay $0x4  }
0x2c: {  	(v2sf) =	vpush v5, $0x0;
	_ =	sdelay $0xe  }
0x2d: {  	s22 =	spop (v2sf)  }
0x2e: {  	s29 =	sadd.s32 $0x7F, s22  }
0x2f: {  	s30 =	sand.u32 $0x7F, s29  }
0x30: {  	s31 =	sshra.s32 s29, $0x1F;
	p1 =	slt.s32 s29, $0x1;
	p0 =	sne.s32 s30, $0x0  }
0x31: {  	s1 =	sshrl.u32 s31, $0x19;
	p0 =	por !p1, !p0  }
0x32: {  	s0 =	sadd.s32 s1, s29;
	s1 =	simm.s32 $0x1;
	p0 =	por !p0, !p0  }
0x33: {  	s0 =	sshra.s32 s0, $0x7;
	s1 =	simm.s32 @!p0 $0x0  }
0x34: {  	s23 =	ssub.s32 s0, s1  }
0x35: {  	p0 =	slt.s32 s23, $0x1  }
.Ltmp3:
0x36: {  	_ = 	snop;
	(pc) =	sbr.rel @!p0 .LBB2_4-.Ltmp3, $4  }
.Ltmp4:
0x37: {  	_ = 	snop;
	(pc) =	sbr.rel @p0 .LBB2_14-.Ltmp4, $4  }
0x38: {  	_ = 	snop  }
0x39: {  	_ = 	snop  }
0x3a: {  	s24 =	smov.u32 s22  }
0x3b: {  	_ = 	snop  }
.LBB2_13:
0x3c: {  	s21 =	sadd.s32 $0x1, s21  }
0x3d: {  	p0 =	sne.s32 s21, s23  }
.Ltmp5:
0x3e: {  	_ = 	snop;
	(pc) =	sbr.rel @!p0 .LBB2_14-.Ltmp5, $2  }
0x3f: {  	_ =	sdelay $0x2  }
0x40: {  	s24 =	sadd.s32 $0xFFFFFF80, s24  }
.LBB2_4:
0x41: {  	s0 =	sshll.u32 s21, $0x9  }
0x42: {  	s31 =	sshll.u32 s21, $0x7;
	p0 =	slt.s32 s24, $0x80;
	s0 =	sshra.s32 s0, $0x2  }
.Ltmp6:
0x43: {  	s25 =	smov.u32 s24;
	s0 =	sadd.s32 $0x4000, s0;
	(pc) =	sbr.rel .LBB2_5-.Ltmp6, $4  }
0x44: {  	[tilespmem:s18], [sflag:$0x1] =	stream.indirect.gather [hbm4b:s3+s17], $0x80, s0, s17, $0xb8;
	[tilespmem:$0x11200] =	vst v63  }
0x45: {  	s28 =	simm.s32 $0xD020;
	s26 =	ssub.s32 s22, s31;
	_ =	swait.ge [sflag:s16], $0x4000  }
0x46: {  	s25 =	simm.s32 @!p0 $0x80;
	p0 =	slt.s32 s26, $0x80;
	[sflag:s16] =	ssyncset.done $0x0  }
0x47: {  	s29 =	simm.s32 $0x0;
	v5 =	vmov s31;
	s26 =	simm.s32 @!p0 $0x80;
	[sflag:s16] =	ssyncadd.s32 $0xFFFFC000  }
.LBB2_7:
0x48: {  	s31 =	smov.u32 s28  }
.LBB2_11:
0x49: {  	v6 =	vmul.f32 @p0 v9, v8  }
0x4a: {  	s1 =	spop (v2sf);
	v7 =	vmul.f32 @p0 v10, v7  }
0x4b: {  	s2 =	sadd.s32 @p0 $0x80, s31;
	s11 =	smov.u32 s28;
	s1 =	sadd.s32 s5, s1;
	[tilespmem:s0+$0x9410] =	vst.add.f32.msk @p0 $0xffff, v6  }
0x4c: {  	s11 =	smov.u32 @p0 s2;
	[tilespmem:s0+$0x9420] =	vst.add.f32.msk @p0 $0xffff, v7;
	s30 =	sshll.u32 s1, $0x6  }
0x4d: {  	s0 =	sshra.s32 s30, $0x2;
	v6 =	vld [tilespmem:s11+$0xFFFFFFE0]  }
0x4e: {  	v7 =	vld [tilespmem:s0+$0x8000];
	_ =	sdelay $0x4  }
0x4f: {  	v6 =	vmul.f32 v6, v7;
	_ =	sdelay $0x1  }
0x50: {  	v7 =	vperm.xlane v6, v3  }
0x51: {  	s31 =	smul.u32 $0xC0, s1  }
0x52: {  	v6 =	vmin.f32 v6, v7  }
0x53: {  	s0 =	sshra.s32 s31, $0x2;
	v7 =	vnsel vm0, $0x0, v6  }
0x54: {  	[tilespmem:s0+$0x9400] =	vst.add.f32.msk $0xffff, v7  }
0x55: {  	v7 =	vld [tilespmem:s11+$0xFFFFFFF0]  }
0x56: {  	v62 =	vld [tilespmem:s11+$0x0];
	_ =	sdelay $0x1  }
0x57: {  	v63 =	vperm.xlane v6, v2  }
0x58: {  	v6 =	vperm.xlane v6, v4  }
0x59: {  	v7 =	vmul.f32 v7, v63  }
0x5a: {  	v6 =	vmul.f32 v62, v6  }
0x5b: {  	[tilespmem:s0+$0x9410] =	vst.add.f32.msk $0xffff, v7  }
0x5c: {  	[tilespmem:s0+$0x9420] =	vst.add.f32.msk $0xffff, v6  }
.LBB2_12:
0x5d: {  	s29 =	sadd.s32 $0x1, s29  }
0x5e: {  	p0 =	sne.s32 s29, $0x8  }
.Ltmp7:
0x5f: {  	_ = 	snop;
	(pc) =	sbr.rel @!p0 .LBB2_13-.Ltmp7, $2  }
0x60: {  	_ =	sdelay $0x2  }
0x61: {  	s25 =	sadd.s32 $0xFFFFFFF0, s25;
	s28 =	sadd.s32 $0x800, s28  }
.LBB2_5:
0x62: {  	s0 =	sshll.u32 s29, $0x4  }
0x63: {  	s1 =	ssub.s32 s26, s0  }
0x64: {  	p0 =	slt.s32 s1, $0x1  }
.Ltmp8:
0x65: {  	_ = 	snop;
	(pc) =	sbr.rel @p0 .LBB2_12-.Ltmp8, $1  }
0x66: {  	_ =	sdelay $0x3  }
0x67: {  	_ =	sdelay $0x3  }
0x68: {  	v6 =	vld.idx.msk [tilespmem:v5+s0+$0x0 ss:$0x1], $0xffff;
	_ =	sdelay $0x1  }
0x69: {  	s31 =	simm.s32 $0x0  }
0x6a: {  	v7 =	vmov s31  }
0x6b: {  	vm1 =	veq.s32 v7, v1  }
0x6c: {  	v7 =	vnsel vm1, $0x0, v6  }
0x6d: {  	(xrf0) =	vadd.scan.msk.s32 $0xffff, v7;
	_ =	sdelay $0x5  }
0x6e: {  	v7, _, _ =	vpop (xrf0)  }
0x6f: {  	(v2sf) =	vpush v7, $0xF;
	_ =	sdelay $0x4  }
0x70: {  	p0 =	sgt.s32 s25, $0x1;
	s0 =	smov.u32 s25  }
0x71: {  	s0 =	simm.s32 @!p0 $0x1  }
0x72: {  	s30 =	smin.u32 s0, $0x10  }
0x73: {  	p1 =	sne.s32 s30, $0x1  }
.Ltmp9:
0x74: {  	_ = 	snop;
	(pc) =	sbr.rel @!p1 .LBB2_7-.Ltmp9, $2  }
0x75: {  	_ =	sdelay $0x2  }
0x76: {  	p0 =	por $0x0, $0x0;
	s0 =	simm.s32 $0x1  }
0x77: {  	_ = 	snop  }
0x78: {  	s1 =	spop (v2sf)  }
0x79: {  	s1 =	sadd.s32 s5, s1  }
0x7a: {  	s31 =	sshll.u32 s1, $0x6  }
0x7b: {  	v7 =	vld [tilespmem:s28+$0xFFFFFFE0];
	s31 =	sshra.s32 s31, $0x2  }
0x7c: {  	v8 =	vld [tilespmem:s31+$0x8000];
	_ =	sdelay $0x3  }
0x7d: {  	v9 =	vmov s0  }
0x7e: {  	vm1 =	veq.s32 v9, v1;
	v7 =	vmul.f32 v7, v8  }
0x7f: {  	v9 =	vnsel vm1, $0x0, v6  }
0x80: {  	(xrf0) =	vadd.scan.msk.s32 $0xffff, v9;
	v8 =	vperm.xlane v7, v3;
	_ =	sdelay $0x1  }
0x81: {  	v7 =	vmin.f32 v7, v8  }
0x82: {  	s11 =	smul.u32 $0xC0, s1;
	v8 =	vnsel vm0, $0x0, v7;
	_ =	sdelay $0x1  }
0x83: {  	s0 =	sshra.s32 s11, $0x2  }
0x84: {  	[tilespmem:s0+$0x9400] =	vst.add.f32.msk $0xffff, v8;
	v8, _, _ =	vpop (xrf0)  }
0x85: {  	(v2sf) =	vpush v8, $0xF;
	_ =	sdelay $0x7  }
0x86: {  	p1 =	sne.s32 s30, $0x2  }
.Ltmp10:
0x87: {  	v9 =	vld [tilespmem:s28+$0xFFFFFFF0];
	(pc) =	sbr.rel @!p1 .LBB2_9-.Ltmp10, $3  }
0x88: {  	v10 =	vld [tilespmem:s28+$0x0];
	_ =	sdelay $0x1  }
0x89: {  	v8 =	vperm.xlane v7, v2  }
0x8a: {  	p0 =	por $0x1, $0x1;
	s1 =	simm.s32 $0x2;
	s31 =	smov.u32 s28;
	v7 =	vperm.xlane v7, v4  }
.LBB2_10:
0x8b: {  	v11 =	vmov s1;
	s1 =	sadd.s32 $0x1, s1  }
0x8c: {  	vm1 =	veq.s32 v11, v1;
	p1 =	sne.s32 s30, s1  }
0x8d: {  	v8 =	vmul.f32 v9, v8;
	v11 =	vnsel vm1, $0x0, v6  }
0x8e: {  	v7 =	vmul.f32 v10, v7;
	(xrf0) =	vadd.scan.msk.s32 $0xffff, v11;
	s2 =	spop (v2sf)  }
0x8f: {  	s2 =	sadd.s32 s5, s2;
	[tilespmem:s0+$0x9410] =	vst.add.f32.msk $0xffff, v8  }
0x90: {  	s31 =	sadd.s32 $0x80, s31;
	s11 =	sshll.u32 s2, $0x6;
	[tilespmem:s0+$0x9420] =	vst.add.f32.msk $0xffff, v7  }
0x91: {  	s0 =	sshra.s32 s11, $0x2;
	v7 =	vld [tilespmem:s31+$0xFFFFFFE0]  }
0x92: {  	v8 =	vld [tilespmem:s0+$0x8000];
	_ =	sdelay $0x1  }
0x93: {  	v9, _, _ =	vpop (xrf0)  }
0x94: {  	(v2sf) =	vpush v9, $0xF;
	_ =	sdelay $0x1  }
0x95: {  	v7 =	vmul.f32 v7, v8;
	_ =	sdelay $0x1  }
0x96: {  	v8 =	vperm.xlane v7, v3  }
0x97: {  	s0 =	smul.u32 $0xC0, s2  }
.Ltmp11:
0x98: {  	v7 =	vmin.f32 v7, v8;
	(pc) =	sbr.rel @p1 .LBB2_10-.Ltmp11, $4  }
0x99: {  	s0 =	sshra.s32 s0, $0x2;
	v9 =	vnsel vm0, $0x0, v7;
	v8 =	vperm.xlane v7, v2;
	v7 =	vperm.xlane v7, v4  }
0x9a: {  	[tilespmem:s0+$0x9400] =	vst.add.f32.msk $0xffff, v9  }
0x9b: {  	v9 =	vld [tilespmem:s31+$0xFFFFFFF0]  }
0x9c: {  	v10 =	vld [tilespmem:s31+$0x0]  }
.Ltmp12:
0x9d: {  	_ = 	snop;
	(pc) =	sbr.rel .LBB2_11-.Ltmp12, $1  }
0x9e: {  	_ =	sdelay $0x3  }
.LBB2_9:
.Ltmp13:
0x9f: {  	(pc) =	sbr.rel .LBB2_11-.Ltmp13, $2  }
0xa0: {  	_ =	sdelay $0x2  }
0xa1: {  	s31 =	smov.u32 s28  }
.LBB2_15:
0xa2: {  	_ =	sfence.sel $0x180000  }
0xa3: {  	[bflag:$0x0] =	sbarrier.arrive $0xFFFF  }
0xa4: {  	_ =	strace $0x9000004A  }
0xa5: {  	s0 =	stileid.u32;
	[bflag:$0x2] =	sbarrier.arrive $0xFFFF  }
0xa6: {  	p0 =	sne.s32 s0, $0x0;
	s0 =	rddreg [dreg:$0x1]  }
0xa7: {  	s0 =	sadd.s32 @!p0 $0x100000, s0  }
0xa8: {  	[sflag:s0] =	ssyncadd.tile.s32 @!p0 $0x1;
	_ =	shalt  }
.Lfunc_end2:
_tile_overlayer_lowered:
.L_overlay_start_2:
0xa9: {  	(tag) =	ssettag $0x2  }
0xaa: {  	s0 =	rddreg [dreg:$0x0];
	s2 =	stileid.u32  }
0xab: {  	s1 =	rddreg [dreg:$0x1];
	p0 =	sne.s32 s2, $0x0  }
0xac: {  	s3 =	rddreg [dreg:$0x2];
	[bflag:$0x3] =	sbarrier.arrive $0xFFFF;
	s2 =	simm.s32 @!p0 $0x1C02  }
0xad: {  	[timem:s3], [sflag:s2] =	dma.local @!p0 [hbm:s0], s1  }
0xae: {  	s0 =	simm.s32 @!p0 $0x2  }
0xaf: {  	_ =	swait.ge @!p0 [sflag:s0], s1  }
0xb0: {  	s1 =	ssub.s32 @!p0 $0x0, s1;
	[sflag:s0] =	ssyncset.done @!p0 $0x0  }
0xb1: {  	[sflag:s0] =	ssyncadd.s32 @!p0 s1  }
0xb2: {  	[bflag:$0x3] =	sbarrier.arrive $0xFFFF  }
0xb3: {  	_ =	shalt  }

// kernel: kernel.9.cloned.1.call-start
scs
__scs_entry_jumppad:
0x0: {  	(pc) =	sbr.rel $0x88, $3  }
0x1: {  	(tag) =	ssettag $0x0;
	lr =	simm.s32 $0x1  }
0x2: {  	[smem:$0x3F99] =	sst lr;
	_ =	strace $0xD0000000  }
0x3: {  	_ = 	snop  }
0x4: {  	_ = 	snop  }
0x5: {  	_ = 	snop  }
0x6: {  	_ = 	snop  }
0x7: {  	_ = 	snop  }
__scs_overlays_trampoline_lowered:
0x8: {  	[smem:$0x3FA8] =	sst s0  }
0x9: {  	[smem:$0x3FA9] =	sst s1  }
0xa: {  	[smem:$0x3FAA] =	sst s2  }
0xb: {  	[smem:$0x3FAB] =	sst s3  }
0xc: {  	[smem:$0x3FAC] =	sst s4  }
0xd: {  	[smem:$0x3FAD] =	sst s5  }
0xe: {  	[smem:$0x3FAE] =	sst s6  }
0xf: {  	[smem:$0x3FAF] =	sst s7  }
0x10: {  	[smem:$0x3FB0] =	sst s8  }
0x11: {  	[smem:$0x3FB1] =	sst s9;
	s0 =	simm.s32 @!p0 $0x0  }
0x12: {  	s1 =	sld [smem:$0x3F97];
	s0 =	simm.s32 @p0 $0x1  }
0x13: {  	[smem:$0x3FB2] =	sst s0;
	s0 =	simm.s32 @!p1 $0x0  }
0x14: {  	s2 =	sld [smem:$0x3F96];
	s0 =	simm.s32 @p1 $0x1  }
0x15: {  	[smem:$0x3FB3] =	sst s0;
	s0 =	simm.s32 @!p2 $0x0  }
0x16: {  	s3 =	sld [smem:$0x3FDB];
	s0 =	simm.s32 @p2 $0x1  }
0x17: {  	s4 =	simm.s32 $0x1BF5;
	[smem:$0x3FB5] =	sst s0  }
0x18: {  	s0 =	sld [smem:$0x3F98];
	_ =	swait.ge [sflag:s4], $0x0  }
0x19: {  	s7 =	sld [smem:$0x3F99]  }
0x1a: {  	s8 =	sadd.s32 $0xFFFFE003, lr  }
0x1b: {  	s9 =	sadd.s32 $0xFFFFFEF7, lr;
	s5 =	simm.s32 $0xFFFFFFFF;
	p2 =	slt.u32 s8, $0xFFFFF086  }
0x1c: {  	p1 =	slt.u32 s9, $0xF7A;
	s5 =	simm.s32 @!p2 $0x0  }
0x1d: {  	s5 =	simm.s32 @p1 $0x1;
	p0 =	seq.s32 s7, s2  }
0x1e: {  	s7 =	smul.u32 @!p0 $0xF7A, s2;
	p2 =	seq.s32 @!p0 s5, $0x0  }
0x1f: {  	s9 =	smul.u32 $0xF7A, s1;
	s8 =	simm.s32 @!p0 $0x1BF5;
	p2 =	por !p2, p0  }
0x20: {  	[sflag:s8] =	ssyncset.s32 @!p0 $0xFFFFF086;
	s6 =	sadd.s32 @!p0 s3, s7;
	s7 =	simm.s32 @!p0 $0x108  }
0x21: {  	s3 =	sadd.s32 s3, s9;
	s6 =	sadd.s32 @!p0 $0x88, s6;
	s7 =	simm.s32 @p2 $0x1082  }
0x22: {  	[simem:s7], [sflag:s8] =	dma.local @!p0 [hbm:s6], $0xF7A  }
0x23: {  	s9 =	sor.u32 $0xD0000000, s2;
	s6 =	simm.s32 $0x108;
	_ =	swait.ge @!p0 [sflag:s8], $0x0  }
0x24: {  	s3 =	sadd.s32 $0x88, s3;
	s6 =	simm.s32 @!p1 $0x1082;
	[sflag:s4] =	ssyncset.s32 $0xFFFFF086  }
0x25: {  	[simem:s6], [sflag:s4] =	dma.local [hbm:s3], $0xF7A  }
0x26: {  	[smem:$0x3F99] =	sst s1;
	(tag) =	ssettag s2;
	_ =	strace s9  }
0x27: {  	s1 =	sld [smem:$0x3FA9]  }
0x28: {  	s2 =	sld [smem:$0x3FAA]  }
0x29: {  	s4 =	sld [smem:$0x3FAC]  }
0x2a: {  	p0 =	seq.s32 s5, $0x0;
	s5 =	sld [smem:$0x3FAD]  }
0x2b: {  	s6 =	sld [smem:$0x3FAE]  }
0x2c: {  	s7 =	sld [smem:$0x3FAF]  }
0x2d: {  	s3 =	simm.s32 $0x108;
	s8 =	sld [smem:$0x3FB0]  }
0x2e: {  	s3 =	simm.s32 @!p0 $0x1082;
	s9 =	sld [smem:$0x3FB1]  }
0x2f: {  	lr =	sadd.s32 s0, s3;
	s0 =	sld [smem:$0x3FA8]  }
0x30: {  	s3 =	sld [smem:$0x3FAB]  }
0x31: {  	[smem:$0x3FB4] =	sst s10  }
0x32: {  	s10 =	sld [smem:$0x3FB2];
	_ =	sdelay $0x3  }
0x33: {  	p0 =	seq.s32 s10, $0x1;
	s10 =	sld [smem:$0x3FB4];
	_ =	sdelay $0x3  }
0x34: {  	[smem:$0x3FB4] =	sst s10  }
0x35: {  	s10 =	sld [smem:$0x3FB3];
	_ =	sdelay $0x3  }
0x36: {  	p1 =	seq.s32 s10, $0x1;
	s10 =	sld [smem:$0x3FB4];
	_ =	sdelay $0x3  }
0x37: {  	[smem:$0x3FB4] =	sst s10  }
0x38: {  	s10 =	sld [smem:$0x3FB5]  }
0x39: {  	_ = 	snop;
	(pc) =	sbr.ind lr, $3  }
0x3a: {  	_ = 	snop  }
0x3b: {  	_ = 	snop  }
0x3c: {  	p2 =	seq.s32 s10, $0x1;
	s10 =	sld [smem:$0x3FB4]  }
0x3d: {  	_ =	shalt  }
0x3e: {  	_ =	shalt  }
0x3f: {  	_ =	shalt  }
0x40: {  	_ =	shalt  }
0x41: {  	_ =	shalt  }
0x42: {  	_ =	shalt  }
0x43: {  	_ =	shalt  }
0x44: {  	_ =	shalt  }
0x45: {  	_ =	shalt  }
0x46: {  	_ =	shalt  }
0x47: {  	_ =	shalt  }
0x48: {  	_ =	shalt  }
0x49: {  	_ =	shalt  }
0x4a: {  	_ =	shalt  }
0x4b: {  	_ =	shalt  }
0x4c: {  	_ =	shalt  }
0x4d: {  	_ =	shalt  }
0x4e: {  	_ =	shalt  }
0x4f: {  	_ =	shalt  }
0x50: {  	_ =	shalt  }
0x51: {  	_ =	shalt  }
0x52: {  	_ =	shalt  }
0x53: {  	_ =	shalt  }
0x54: {  	_ =	shalt  }
0x55: {  	_ =	shalt  }
0x56: {  	_ =	shalt  }
0x57: {  	_ =	shalt  }
0x58: {  	_ =	shalt  }
0x59: {  	_ =	shalt  }
0x5a: {  	_ =	shalt  }
0x5b: {  	_ =	shalt  }
0x5c: {  	_ =	shalt  }
0x5d: {  	_ =	shalt  }
0x5e: {  	_ =	shalt  }
0x5f: {  	_ =	shalt  }
0x60: {  	_ =	shalt  }
0x61: {  	_ =	shalt  }
0x62: {  	_ =	shalt  }
0x63: {  	_ =	shalt  }
0x64: {  	_ =	shalt  }
0x65: {  	_ =	shalt  }
0x66: {  	_ =	shalt  }
0x67: {  	_ =	shalt  }
0x68: {  	_ =	shalt  }
0x69: {  	_ =	shalt  }
0x6a: {  	_ =	shalt  }
0x6b: {  	_ =	shalt  }
0x6c: {  	_ =	shalt  }
0x6d: {  	_ =	shalt  }
0x6e: {  	_ =	shalt  }
0x6f: {  	_ =	shalt  }
0x70: {  	_ =	shalt  }
0x71: {  	_ =	shalt  }
0x72: {  	_ =	shalt  }
0x73: {  	_ =	shalt  }
0x74: {  	_ =	shalt  }
0x75: {  	_ =	shalt  }
0x76: {  	_ =	shalt  }
0x77: {  	_ =	shalt  }
0x78: {  	_ =	shalt  }
0x79: {  	_ =	shalt  }
0x7a: {  	_ =	shalt  }
0x7b: {  	_ =	shalt  }
0x7c: {  	_ =	shalt  }
0x7d: {  	_ =	shalt  }
0x7e: {  	_ =	shalt  }
0x7f: {  	_ =	shalt  }
0x80: {  	_ =	shalt  }
0x81: {  	_ =	shalt  }
0x82: {  	_ =	shalt  }
0x83: {  	_ =	shalt  }
0x84: {  	_ =	shalt  }
0x85: {  	_ =	shalt  }
0x86: {  	_ =	shalt  }
0x87: {  	_ =	shalt  }
.Lfunc_end0:
.L_simem_size_0:
called_computation_lowered:
.L_overlay_start_0:
0x88: {  	s2 =	sld [smem:$0x3FD9]  }
0x89: {  	s3 =	sld [smem:$0x3FFE];
	_ =	sdelay $0x1  }
0x8a: {  	s1 =	srdreg.scid  }
0x8b: {  	s0 =	sand.u32 $0x1, s1  }
0x8c: {  	s16 =	sshll.u32 s0, $0xA;
	s2 =	sadd.s32 s3, s2  }
0x8d: {  	s2 =	sadd.s32 s2, s16  }
0x8e: {  	[smem:$0x3FC0] =	sst s2  }
0x8f: {  	_ = 	snop  }
0x90: {  	(tm) =	ssettm $0x1  }
0x91: {  	s17 =	sld [smem:$0x3FFB];
	_ =	sdelay $0x3  }
0x92: {  	_ =	strace s17  }
0x93: {  	s2 =	sld [smem:$0x3FFC];
	_ =	sdelay $0x3  }
0x94: {  	_ =	strace s2  }
0x95: {  	s2 =	sld [smem:$0x3FFD];
	_ =	sdelay $0x3  }
0x96: {  	_ =	strace s2  }
0x97: {  	_ =	strace $0x8FFFFFFF  }
0x98: {  	s18 =	sld [smem:$0x3FDB];
	_ =	sdelay $0x1  }
0x99: {  	s19 =	simm.s32 $_scs_section_size  }
0x9a: {  	s4 =	simm.s32 $_size__tile_overlayer_lowered;
	s5 =	simm.s32 $_tile_overlayer_lowered  }
0x9b: {  	s22 =	simm.s32 $0x1BFF;
	s21 =	sshll.u32 s5, $0x1;
	s2 =	sadd.s32 s19, s18  }
0x9c: {  	s6 =	simm.s32 $0x0;
	s20 =	sshll.u32 s4, $0x1;
	s4 =	sadd.s32 s21, s2  }
0x9d: {  	[timem:s6], [sflag:s22] =	dma.local [hbm:s4], s20  }
0x9e: {  	_ =	swait.ge [sflag:s22], s20  }
0x9f: {  	s3 =	ssub.s32 $0x0, s20;
	[sflag:s22] =	ssyncset.done $0x0  }
0xa0: {  	[sflag:s22] =	ssyncadd.s32 s3;
	_ =	sdelay $0x1  }
0xa1: {  	s23 =	simm.s32 $0x1B8B  }
0xa2: {  	_ =	swait.ge [sflag:s23], $0x1  }
0xa3: {  	[sflag:s23] =	ssyncset.done $0x0  }
0xa4: {  	s25 =	simm.s32 $0x1B8E;
	s24 =	sld [smem:$0x3FFE];
	[sflag:s23] =	ssyncadd.s32 $0xFFFFFFFF  }
0xa5: {  	s26 =	simm.s32 $execute0_lowered;
	[smem:$0x3FD2] =	sst s25  }
0xa6: {  	s4 =	sshll.u32 s26, $0x1;
	_ =	strace $0x80000046;
	[dreg:$0x1] =	wrdreg $0xFFFFFFFF  }
0xa7: {  	s28 =	simm.s32 $_size_execute0_lowered;
	s2 =	sadd.s32 s2, s4;
	[dreg:$0x0] =	wrdreg $0x0  }
0xa8: {  	s4 =	sshll.u32 s28, $0x1;
	[dreg:$0x2] =	wrdreg s2  }
0xa9: {  	[dreg:$0x3] =	wrdreg s4  }
0xaa: {  	[dreg:$0x4] =	wrdreg $0xC0  }
0xab: {  	_ =	task [dreg:s6], $0x5FFFF  }
0xac: {  	[dreg:$0x1] =	wrdreg $0xFFFFFFFF  }
0xad: {  	[dreg:$0x0] =	wrdreg $0x60  }
0xae: {  	[dreg:$0x2] =	wrdreg s24  }
0xaf: {  	[dreg:$0x3] =	wrdreg $0x9  }
0xb0: {  	_ =	task.clear_ibuf [dreg:s6], $0x4FFFF;
	_ =	strace $0x90000046  }
0xb1: {  	s29 =	simm.s32 $0x9;
	_ =	strace $0x80000048  }
0xb2: {  	_ =	swait.ge [sflag:s29], $0x1  }
0xb3: {  	[sflag:s29] =	ssyncadd.s32 $0xFFFFFFFF  }
0xb4: {  	_ =	strace $0x90000048  }
0xb5: {  	_ =	sfence  }
0xb6: {  	s30 =	sld [smem:$0x0];
	_ =	sdelay $0x2  }
0xb7: {  	s31 =	sshll.u32 s1, $0xD;
	s1 =	sshrl.u32 s1, $0x2  }
0xb8: {  	s3 =	sand.u32 $0x4000, s31;
	s1 =	sadd.s32 s1, s30  }
0xb9: {  	s0 =	sor.u32 s3, s0;
	s1 =	sshll.u32 s1, $0x11  }
0xba: {  	s0 =	sor.u32 s1, s0  }
0xbb: {  	s0 =	sadd.s32 $0x8F2B, s0  }
0xbc: {  	[sflag:s0] =	ssyncadd.remote.s32 $0x1  }
0xbd: {  	_ =	sfence.sel $0xFFFF  }
0xbe: {  	[dreg:$0x0] =	wrdreg $0xFFFFFFFF;
	(pc) =	sbr.abs _section_cstart, $3  }
0xbf: {  	[dreg:$0x1] =	wrdreg $0xFFFFFFFF  }
0xc0: {  	_ =	task.clear_ibuf [dreg:s6], $0x2FFFF;
	_ =	strace $0x9FFFFFFF  }
0xc1: {  	(tm) =	ssettm $0x7FFFFFFF  }
tec
execute0_lowered:
.L_overlay_start_1:
0x0: {  	(tag) =	ssettag $0x1  }
0x1: {  	v0 =	vimm.s32 $0x0;
	v1 =	vlaneseq.u32;
	v2 =	vimm.s32 $0x8040201  }
0x2: {  	v3 =	vimm.s32 $0x80000000;
	vm0 =	vcmask $0x300;
	vm1 =	vcmask $0xF00  }
0x3: {  	v4 =	vimm.s32 $0x80402010;
	v3 =	vsel vm0, $0x10000, v3;
	vm0 =	vcmask $0x704  }
0x4: {  	v2 =	vunpack.c.0.s8.s32 v2;
	v3 =	vsel vm0, $0x20000, v3;
	vm0 =	vcmask $0xB08  }
0x5: {  	s4 =	rddreg [dreg:$0x0];
	v4 =	vunpack.c.0.s8.s32 v4;
	v3 =	vsel vm0, $0x40000, v3;
	vm0 =	vcmask $0xF0C  }
0x6: {  	s0 =	rddreg [dreg:$0x1];
	v2 =	vnsel vm1, $0x8000, v2;
	v3 =	vsel vm0, $0x80000, v3;
	vm0 =	vcmask $0x1310  }
0x7: {  	s3 =	srdreg.scid;
	s1 =	stileid.u32;
	v4 =	vand.u32 $0xFF, v4;
	v3 =	vsel vm0, $0x100000, v3;
	vm0 =	vcmask $0x1714  }
0x8: {  	s2 =	simm.s32 $0x0;
	s12 =	simm.s32 $0x6780;
	s13 =	simm.s32 $0xA780;
	vm1 =	vcmask $0x1F10;
	v3 =	vsel vm0, $0x200000, v3;
	vm0 =	vcmask $0x1B18  }
0x9: {  	s14 =	simm.s32 $0x0;
	s5 =	sand.u32 $0x1, s3;
	s31 =	sshll.u32 s1, $0x1;
	v4 =	vsel vm1, v4, v2;
	v3 =	vsel vm0, $0x400000, v3;
	vm0 =	vcmask $0x1F1C  }
0xa: {  	[smem:$0x7FF] =	sst s2;
	s3 =	sadd.s32 $0xC11800, s4;
	s10 =	sshll.u32 s1, $0x5;
	v2 =	vimm.f32 $0.0e+00;
	vm1 =	vcmask $0x2320;
	v3 =	vsel vm0, $0x800000, v3  }
0xb: {  	s6 =	sor.u32 s5, s31;
	_ =	strace $0x80000047;
	s9 =	ssub.s32 $0x2, s5;
	v4 =	vsel vm1, $0x100, v4;
	vm0 =	vcmask $0x2724;
	v3 =	vsel vm1, $0x1000000, v3  }
0xc: {  	s5 =	sshll.u32 s5, $0x4;
	s7 =	sshll.u32 s6, $0xB;
	s8 =	sshll.u32 s6, $0x1;
	v4 =	vsel vm0, $0x200, v4;
	vm1 =	vcmask $0x2B28;
	v3 =	vsel vm0, $0x2000000, v3  }
.Ltmp0:
0xd: {  	s11 =	sshrl.u32 s9, $0x1;
	s7 =	sadd.s32 s7, s4;
	v4 =	vsel vm1, $0x400, v4;
	vm0 =	vcmask $0x2F2C;
	v3 =	vsel vm1, $0x4000000, v3;
	(pc) =	sbr.rel .LBB2_1-.Ltmp0, $4  }
0xe: {  	s10 =	sor.u32 s10, s5;
	s8 =	sadd.s32 s8, s4;
	s4 =	sadd.s32 $0xCAA200, s7;
	v4 =	vsel vm0, $0x800, v4;
	vm1 =	vcmask $0x3330;
	v3 =	vsel vm0, $0x8000000, v3  }
0xf: {  	s6 =	sshll.u32 s6, $0x4;
	s10 =	sxor.u32 $0x1F4, s10;
	s5 =	sadd.s32 $0xCBA200, s7;
	v4 =	vsel vm1, $0x1000, v4;
	vm0 =	vcmask $0x3734;
	v3 =	vsel vm1, $0x10000000, v3  }
0x10: {  	s9 =	ssub.s32 s9, s11;
	s11 =	simm.s32 $0x2780;
	s7 =	sadd.s32 $0xCCA200, s8;
	v4 =	vsel vm0, $0x2000, v4;
	vm1 =	vcmask $0x3B38;
	v5 =	vsel vm0, $0x20000000, v3  }
0x11: {  	s8 =	smin.u32 s10, $0x10;
	s9 =	smax.u32 s9, $0x1;
	s10 =	simm.s32 $0x1;
	v3 =	vsel vm1, $0x4000, v4;
	vm0 =	vmmov $0xf;
	v4 =	vsel vm1, $0x40000000, v5  }
.LBB2_10:
0x12: {  	[hbm4b:s4+s2] =	stream.linear.scatter [tilespmem:s11], [sflag:$0x1], $0x4000, $0x38;
	[tilespmem:$0xA800] =	vst v63  }
0x13: {  	_ =	swait.ge [sflag:s10], $0x4000  }
0x14: {  	[sflag:s10] =	ssyncset.done $0x0  }
0x15: {  	[sflag:s10] =	ssyncadd.s32 $0xFFFFC000  }
0x16: {  	[hbm4b:s5+s2] =	stream.linear.scatter [tilespmem:s12], [sflag:$0x1], $0x4000, $0x38;
	[tilespmem:$0xA800] =	vst v63  }
0x17: {  	_ =	swait.ge [sflag:s10], $0x4000  }
0x18: {  	s14 =	sadd.s32 $0x1, s14;
	[sflag:s10] =	ssyncset.done $0x0  }
0x19: {  	v5 =	vmov s17;
	p0 =	sne.s32 s14, s9;
	[sflag:s10] =	ssyncadd.s32 $0xFFFFC000  }
.Ltmp1:
0x1a: {  	[tilespmem:$0xA780] =	vst v5;
	(pc) =	sbr.rel @!p0 .LBB2_11-.Ltmp1, $4  }
0x1b: {  	[hbm4b:s7+s2] =	stream.linear.scatter [tilespmem:s13], [sflag:$0x1], $0x10, $0x38;
	[tilespmem:$0xA800] =	vst v63  }
0x1c: {  	_ =	swait.ge [sflag:s10], $0x10  }
0x1d: {  	[sflag:s10] =	ssyncset.done $0x0  }
0x1e: {  	[sflag:s10] =	ssyncadd.s32 $0xFFFFFFF0  }
.LBB2_1:
0x1f: {  	s15 =	simm.s32 $0x40;
	s16 =	simm.s32 $0x0  }
.LBB2_2:
0x20: {  	p0 =	sne.s32 s15, $0xFFC0;
	[tilespmem:s16+$0x6780] =	vst v0;
	s16 =	smov.u32 s15;
	s15 =	sadd.s32 $0x40, s15  }
.Ltmp2:
0x21: {  	(pc) =	sbr.rel @p0 .LBB2_2-.Ltmp2, $2  }
0x22: {  	_ =	sdelay $0x2  }
0x23: {  	s16 =	sshra.s32 s16, $0x2  }
.Ltmp3:
0x24: {  	(pc) =	sbr.rel .LBB2_4-.Ltmp3, $2  }
0x25: {  	_ =	sdelay $0x2  }
0x26: {  	[tilespmem:s16+$0x6780] =	vst v0;
	s15 =	simm.s32 $0x0;
	s17 =	simm.s32 $0x0;
	s16 =	simm.s32 $0x0  }
.LBB2_9:
0x27: {  	s16 =	sadd.s32 $0x1, s16  }
0x28: {  	p0 =	sne.s32 s16, s8  }
.Ltmp4:
0x29: {  	_ = 	snop;
	(pc) =	sbr.rel @!p0 .LBB2_10-.Ltmp4, $1  }
0x2a: {  	_ =	sdelay $0x3  }
.LBB2_4:
0x2b: {  	s18 =	sadd.s32 s6, s16  }
0x2c: {  	s19 =	smul.u32 $0x2710, s18;
	_ =	sdelay $0x1  }
0x2d: {  	s18 =	smul.u32 $0x14, s18;
	s19 =	sshrl.u32 s19, $0x3  }
.Ltmp5:
0x2e: {  	s19 =	sadd.s32 s3, s19;
	(pc) =	sbr.rel .LBB2_5-.Ltmp5, $4  }
0x2f: {  	[tilespmem:s15], [sflag:$0x1] =	stream.linear.gather [hbm4b:s19+s15], $0x2710, $0x38;
	[tilespmem:$0xA800] =	vst v63  }
0x30: {  	_ =	swait.ge [sflag:s10], $0x2710  }
0x31: {  	s31 =	sadd.s32 $0x10, s18;
	[sflag:s10] =	ssyncset.done $0x0  }
0x32: {  	v5 =	vadd.s32 s18, v1;
	s18 =	simm.s32 $0x0;
	v6 =	vadd.s32 s31, v1;
	[sflag:s10] =	ssyncadd.s32 $0xFFFFD8F0  }
.LBB2_8:
0x33: {  	s18 =	sadd.s32 $0x1, s18  }
0x34: {  	p0 =	sne.s32 s18, $0x271  }
.Ltmp6:
0x35: {  	_ = 	snop;
	(pc) =	sbr.rel @!p0 .LBB2_9-.Ltmp6, $1  }
0x36: {  	_ =	sdelay $0x3  }
.LBB2_5:
0x37: {  	s19 =	sshll.u32 s18, $0x4  }
0x38: {  	v7 =	vld [tilespmem:s19+$0x0];
	_ =	sdelay $0x4  }
0x39: {  	vm2 =	vne.s32 v7, $0x0  }
0x3a: {  	v8 =	vsel vm2, $0x3F800000, v2  }
0x3b: {  	(xrf0) =	vmax.scan.msk.f32 $0xffff, v8;
	_ =	sdelay $0x5  }
0x3c: {  	v8, _, _ =	vpop (xrf0)  }
0x3d: {  	(v2sf) =	vpush v8, $0xF;
	_ =	sdelay $0xe  }
0x3e: {  	s20 =	spop (v2sf)  }
0x3f: {  	p0 =	sgt.f32 s20, $0.0e+00  }
.Ltmp7:
0x40: {  	_ = 	snop;
	(pc) =	sbr.rel @!p0 .LBB2_8-.Ltmp7, $1  }
0x41: {  	_ =	sdelay $0x3  }
0x42: {  	vm1 =	vne.s32 v7, $0x0  }
0x43: {  	v9 =	vmov s19;
	v8 =	vsel vm1, $0x1, v0  }
.LBB2_7:
0x44: {  	v10 =	vmctz.xlane vm2;
	_ =	sdelay $0x1  }
0x45: {  	v11 =	vperm.xlane v7, v10;
	_ =	sdelay $0x1  }
0x46: {  	v12 =	vand.u32 v3, v11  }
0x47: {  	vm1 =	vne.s32 v12, $0x0  }
0x48: {  	v12 =	vsel vm1, $0x1, v0  }
0x49: {  	(xrf0) =	vadd.scan.msk.s32 $0xffff, v12;
	_ =	sdelay $0x2  }
0x4a: {  	v57 =	vmov s17  }
0x4b: {  	v12 =	vadd.s32 $0xFFFFFFFF, v57  }
0x4c: {  	v12 =	vbroadcast v12, $0x0  }
0x4d: {  	v13, _, _ =	vpop (xrf0)  }
0x4e: {  	v12 =	vadd.s32 v13, v12  }
0x4f: {  	vm2 =	vlt.s32 v12, $0x4000  }
0x50: {  	vm1 =	vmand vm1, vm2  }
0x51: {  	v58 =	vsel vm1, $0x1, v0  }
0x52: {  	(xrf0) =	vadd.scan.msk.s32 $0xffff, v58;
	_ =	sdelay $0x5  }
0x53: {  	v13, _, _ =	vpop (xrf0)  }
0x54: {  	(v2sf) =	vpush v13, $0xF;
	_ =	sdelay $0x9  }
0x55: {  	v11 =	vand.u32 v4, v11  }
0x56: {  	vm2 =	vne.s32 v11, $0x0  }
0x57: {  	vm2 =	vmand vm2, vm0  }
0x58: {  	v11 =	vsel vm2, $0x1, v0  }
0x59: {  	(xrf0) =	vadd.scan.msk.s32 $0xffff, v11  }
0x5a: {  	s19 =	spop (v2sf)  }
0x5b: {  	s30 =	sadd.s32 s17, s19  }
0x5c: {  	v11 =	vmov s30  }
0x5d: {  	v11 =	vadd.s32 $0xFFFFFFFF, v11  }
0x5e: {  	v11 =	vbroadcast v11, $0x0  }
0x5f: {  	v59, _, _ =	vpop (xrf0)  }
0x60: {  	v11 =	vadd.s32 v59, v11  }
0x61: {  	vm4 =	veq.s32 v10, v1;
	vm3 =	vlt.s32 v11, $0x4000  }
0x62: {  	v8 =	vsel vm4, $0x0, v8;
	vm3 =	vmand vm2, vm3  }
0x63: {  	vm2 =	vne.s32 v8, $0x0;
	v60 =	vsel vm3, $0x1, v0  }
0x64: {  	v61 =	vsel vm2, $0x3F800000, v2;
	(xrf0) =	vadd.scan.msk.s32 $0xffff, v60  }
0x65: {  	(xrf0) =	vmax.scan.msk.f32 $0xffff, v61;
	_ =	sdelay $0x4  }
0x66: {  	v62, _, _ =	vpop (xrf0)  }
0x67: {  	(v2sf) =	vpush v62, $0xF;
	v63, _, _ =	vpop (xrf0)  }
0x68: {  	(v2sf) =	vpush v63, $0xF;
	_ =	sdelay $0xd  }
0x69: {  	s31 =	spop (v2sf)  }
0x6a: {  	s20 =	spop (v2sf)  }
0x6b: {  	p0 =	sgt.f32 s20, $0.0e+00  }
.Ltmp8:
0x6c: {  	_ = 	snop;
	(pc) =	sbr.rel @p0 .LBB2_7-.Ltmp8, $4  }
0x6d: {  	v10 =	vadd.s32 v9, v10;
	[tilespmem:v12+s11+$0x0] =	vst.idx.msk vm1, v5  }
0x6e: {  	[tilespmem:v12+s12+$0x0] =	vst.idx.msk vm1, v10  }
0x6f: {  	[tilespmem:v11+s11+$0x0] =	vst.idx.msk vm3, v6  }
0x70: {  	[tilespmem:v11+s12+$0x0] =	vst.idx.msk vm3, v10;
	s17 =	sadd.s32 s30, s31  }
.Ltmp9:
0x71: {  	_ = 	snop;
	(pc) =	sbr.rel .LBB2_8-.Ltmp9, $1  }
0x72: {  	_ =	sdelay $0x3  }
.LBB2_11:
0x73: {  	_ =	sfence.sel $0x180000  }
0x74: {  	[bflag:$0x0] =	sbarrier.arrive $0xFFFF  }
0x75: {  	p0 =	sne.s32 s1, $0x0;
	_ =	strace $0x90000047  }
0x76: {  	s0 =	sadd.s32 @!p0 $0x100000, s0;
	[bflag:$0x2] =	sbarrier.arrive $0xFFFF  }
0x77: {  	[sflag:s0] =	ssyncadd.tile.s32 @!p0 $0x1;
	_ =	shalt  }
.Lfunc_end2:
_tile_overlayer_lowered:
.L_overlay_start_2:
0x78: {  	(tag) =	ssettag $0x2  }
0x79: {  	s0 =	rddreg [dreg:$0x0];
	s2 =	stileid.u32  }
0x7a: {  	s1 =	rddreg [dreg:$0x1];
	p0 =	sne.s32 s2, $0x0  }
0x7b: {  	s3 =	rddreg [dreg:$0x2];
	[bflag:$0x3] =	sbarrier.arrive $0xFFFF;
	s2 =	simm.s32 @!p0 $0x1C01  }
0x7c: {  	[timem:s3], [sflag:s2] =	dma.local @!p0 [hbm:s0], s1  }
0x7d: {  	s0 =	simm.s32 @!p0 $0x1  }
0x7e: {  	_ =	swait.ge @!p0 [sflag:s0], s1  }
0x7f: {  	s1 =	ssub.s32 @!p0 $0x0, s1;
	[sflag:s0] =	ssyncset.done @!p0 $0x0  }
0x80: {  	[sflag:s0] =	ssyncadd.s32 @!p0 s1  }
0x81: {  	[bflag:$0x3] =	sbarrier.arrive $0xFFFF  }
0x82: {  	_ =	shalt  }

</sc_bundles>
